<compile_context>
chip_gen: v7x
topology: tpu7x:2x2x1
jax: 0.10.2.dev20260603
libtpu: 0.0.44.dev20260713+nightly
codegen_flags: <defaults>
</compile_context>

<pallas_src>
import functools

import jax
import jax.numpy as jnp
from jax import lax
from jax.experimental import pallas as pl
from jax.experimental.pallas import tpu as pltpu
from jax.experimental.pallas import tpu_sc as plsc

N_CORES = 2
N_SUBCORES = 16
LANES = 16
NW = N_CORES * N_SUBCORES


@functools.lru_cache(maxsize=None)
def _build(n_nodes: int, n_edges: int, d_feat: int):
    E, D = n_edges, d_feat
    assert E % NW == 0 and D % LANES == 0
    EPW = E // NW
    C = 80
    assert EPW % C == 0 and C % 8 == 0
    NCHUNK = EPW // C
    NGRP = (C + LANES - 1) // LANES
    CP = NGRP * LANES
    UNROLL_A = 4
    assert C % UNROLL_A == 0
    NJ = D // LANES

    mesh = plsc.VectorSubcoreMesh(core_axis_name="c", subcore_axis_name="s")

    @functools.partial(
        pl.kernel,
        mesh=mesh,
        out_type=jax.ShapeDtypeStruct((E,), jnp.float32),
        compiler_params=pltpu.CompilerParams(needs_layout_passes=False),
        scratch_types=[
            pltpu.VMEM((C,), jnp.int32),
            pltpu.VMEM((C,), jnp.int32),
            pltpu.VMEM((C, D), jnp.float32),
            pltpu.VMEM((C, D), jnp.float32),
            pltpu.VMEM((CP * LANES,), jnp.float32),
            pltpu.VMEM((EPW + LANES,), jnp.float32),
            pltpu.SemaphoreType.DMA,
            pltpu.SemaphoreType.DMA,
        ],
    )
    def sc_kernel(h_hbm, src_hbm, dst_hbm, out_hbm,
                  sidx, didx, srows, drows, part, outv, sem_a, sem_b):
        wid = lax.axis_index("s") * N_CORES + lax.axis_index("c")
        ebase = wid * EPW
        iota = lax.iota(jnp.int32, LANES)

        def do_chunk(g, carry):
            base = ebase + g * C
            pltpu.sync_copy(src_hbm.at[pl.ds(base, C)], sidx)
            pltpu.sync_copy(dst_hbm.at[pl.ds(base, C)], didx)
            cp_s = pltpu.async_copy(h_hbm.at[sidx], srows, sem_a)
            cp_d = pltpu.async_copy(h_hbm.at[didx], drows, sem_b)
            cp_s.wait()
            cp_d.wait()

            def pass_a(i0, c):
                for u in range(UNROLL_A):
                    i = i0 * UNROLL_A + u
                    acc = srows[i, pl.ds(0, LANES)] * drows[i, pl.ds(0, LANES)]
                    for j in range(1, NJ):
                        acc = acc + (srows[i, pl.ds(j * LANES, LANES)]
                                     * drows[i, pl.ds(j * LANES, LANES)])
                    part[pl.ds(i * LANES, LANES)] = acc
                return c

            lax.fori_loop(0, C // UNROLL_A, pass_a, 0)

            def pass_b(q, c):
                flat = (q * LANES + iota) * LANES
                tot = plsc.load_gather(part, [flat])
                for cc in range(1, LANES):
                    tot = tot + plsc.load_gather(part, [flat + cc])
                outv[pl.ds(g * C + q * LANES, LANES)] = tot
                return c

            lax.fori_loop(0, NGRP, pass_b, 0)
            return carry

        lax.fori_loop(0, NCHUNK, do_chunk, 0)
        pltpu.sync_copy(outv.at[pl.ds(0, EPW)], out_hbm.at[pl.ds(ebase, EPW)])

    return sc_kernel


def kernel(h, edge_index):
    src = edge_index[0].astype(jnp.int32)
    dst = edge_index[1].astype(jnp.int32)
    score = _build(h.shape[0], edge_index.shape[1], h.shape[1])(h, src, dst)
    return score.reshape(-1, 1)

# --- scband reference (transcript-rebuilt; emitter-appended) ---
"""Pipeline reference for scband-hetero-dot-product-predictor-31361851196214 (READ-ONLY COPY).

The authoritative reference and input builder live on the scoring server;
editing this copy changes nothing except your own understanding.
"""

import jax, jax.numpy as jnp
import numpy as np

N_NODES = 10000
N_EDGES = 320000
D_FEAT = 128

def setup_inputs(seed: int = 0) -> dict:
    key = jax.random.key(seed)
    k1, k2 = jax.random.split(key)
    h = jax.random.normal(k1, (N_NODES, D_FEAT), dtype=jnp.float32)
    edge_index = jax.random.randint(k2, (2, N_EDGES), 0, N_NODES, dtype=jnp.int64)
    return {"h": h, "edge_index": edge_index}

def reference(h, edge_index):
    # DGL HeteroDotProductPredictor: graph.apply_edges(fn.u_dot_v('h','h','score'), etype=etype)
    # For each edge e with endpoints (u, v): score[e] = dot(h[u], h[v])
    # DGL's u_dot_v keeps the reduced dim, producing shape [E, 1].
    src = edge_index[0]
    dst = edge_index[1]
    h_src = jnp.take(h, src, axis=0)  # gather [E, d]
    h_dst = jnp.take(h, dst, axis=0)  # gather [E, d]
    score = jnp.sum(h_src * h_dst, axis=-1, keepdims=True)  # [E, 1]
    return score

if __name__ == "__main__":
    import jax
    _d = setup_inputs()
    print(jax.jit(kernel)(*tuple(_d.values())))

</pallas_src>

<mosaic_0001>
#map = affine_map<(d0, d1) -> (0, 0)>
#map1 = affine_map<(d0, d1) -> (0)>
module attributes {stable_mosaic.version = 14 : i64} {
  func.func @sc_kernel(%arg0: i32, %arg1: i32, %arg2: memref<10000x128xf32, #tpu.memory_space<hbm>>, %arg3: memref<320000xi32, #tpu.memory_space<hbm>>, %arg4: memref<320000xi32, #tpu.memory_space<hbm>>, %arg5: memref<320000xf32, #tpu.memory_space<hbm>>, %arg6: memref<80xi32, #tpu.memory_space<vmem>>, %arg7: memref<80xi32, #tpu.memory_space<vmem>>, %arg8: memref<80x128xf32, #tpu.memory_space<vmem>>, %arg9: memref<80x128xf32, #tpu.memory_space<vmem>>, %arg10: memref<1280xf32, #tpu.memory_space<vmem>>, %arg11: memref<10016xf32, #tpu.memory_space<vmem>>, %arg12: memref<!tpu.dma_semaphore, #tpu.memory_space<semaphore_mem>>, %arg13: memref<!tpu.dma_semaphore, #tpu.memory_space<semaphore_mem>>) attributes {dimension_semantics = [#tpu.dimension_semantics<core_parallel>, #tpu.dimension_semantics<subcore_parallel>], iteration_bounds = array<i64: 2, 16>, scalar_prefetch = 0 : i64, scratch_operands = 8 : i64, tpu.core_type = #tpu.core_type<sc_vector_subcore>, window_params = [{transform_indices = #map}, {transform_indices = #map1}, {transform_indices = #map1}, {transform_indices = #map1}]} {
    %mul3A = arith.constant 2 : i32
    %mul3A_0 = arith.muli %arg1, %mul3A : i32
    %add3A = arith.addi %mul3A_0, %arg0 : i32
    %mul3A_1 = arith.constant 10000 : i32
    %mul3A_2 = arith.muli %add3A, %mul3A_1 : i32
    %iota3A = tpu.iota {dimensions = array<i32: 0>} : vector<16xi32>
    %scan3A = arith.constant 0 : i32
    %scan3A_3 = arith.constant 0 : i32
    %scan3A_4 = arith.constant 125 : i32
    %scan3A_5 = arith.addi %scan3A_3, %scan3A_4 : i32
    %scan3A_6 = arith.constant 1 : i32
    scf.for %scan3A_8 = %scan3A_3 to %scan3A_5 step %scan3A_6  : i32 {
      %mul3A_9 = arith.constant 80 : i32
      %mul3A_10 = arith.muli %scan3A_8, %mul3A_9 : i32
      %add3A_11 = arith.addi %mul3A_2, %mul3A_10 : i32
      "tpu.region"() ({
        %run_scoped3A = tpu.sem_alloc : memref<!tpu.dma_semaphore, #tpu.memory_space<semaphore_mem>>
        %dma_start3A_34 = tpu.memref_slice %arg3[%add3A_11] : memref<320000xi32, #tpu.memory_space<hbm>> -> memref<80xi32, #tpu.memory_space<hbm>>
        %dma_start3A_35 = tpu.memref_slice %arg3[%add3A_11] : memref<320000xi32, #tpu.memory_space<hbm>> -> memref<80xi32, #tpu.memory_space<hbm>>
        tpu.enqueue_dma source(%dma_start3A_35 : memref<80xi32, #tpu.memory_space<hbm>>) target(%arg6 : memref<80xi32, #tpu.memory_space<vmem>>) target_semaphore(%run_scoped3A : memref<!tpu.dma_semaphore, #tpu.memory_space<semaphore_mem>>)
        %dma_wait3A_36 = tpu.memref_slice %arg3[%add3A_11] : memref<320000xi32, #tpu.memory_space<hbm>> -> memref<80xi32, #tpu.memory_space<hbm>>
        %dma_wait3A_37 = tpu.memref_slice %arg3[%add3A_11] : memref<320000xi32, #tpu.memory_space<hbm>> -> memref<80xi32, #tpu.memory_space<hbm>>
        tpu.wait_dma2 semaphore(%run_scoped3A : memref<!tpu.dma_semaphore, #tpu.memory_space<semaphore_mem>>) src(%dma_wait3A_37 : memref<80xi32, #tpu.memory_space<hbm>>) dst(%arg6 : memref<80xi32, #tpu.memory_space<vmem>>)
        tpu.yield
      }) : () -> ()
      "tpu.region"() ({
        %run_scoped3A = tpu.sem_alloc : memref<!tpu.dma_semaphore, #tpu.memory_space<semaphore_mem>>
        %dma_start3A_34 = tpu.memref_slice %arg4[%add3A_11] : memref<320000xi32, #tpu.memory_space<hbm>> -> memref<80xi32, #tpu.memory_space<hbm>>
        %dma_start3A_35 = tpu.memref_slice %arg4[%add3A_11] : memref<320000xi32, #tpu.memory_space<hbm>> -> memref<80xi32, #tpu.memory_space<hbm>>
        tpu.enqueue_dma source(%dma_start3A_35 : memref<80xi32, #tpu.memory_space<hbm>>) target(%arg7 : memref<80xi32, #tpu.memory_space<vmem>>) target_semaphore(%run_scoped3A : memref<!tpu.dma_semaphore, #tpu.memory_space<semaphore_mem>>)
        %dma_wait3A_36 = tpu.memref_slice %arg4[%add3A_11] : memref<320000xi32, #tpu.memory_space<hbm>> -> memref<80xi32, #tpu.memory_space<hbm>>
        %dma_wait3A_37 = tpu.memref_slice %arg4[%add3A_11] : memref<320000xi32, #tpu.memory_space<hbm>> -> memref<80xi32, #tpu.memory_space<hbm>>
        tpu.wait_dma2 semaphore(%run_scoped3A : memref<!tpu.dma_semaphore, #tpu.memory_space<semaphore_mem>>) src(%dma_wait3A_37 : memref<80xi32, #tpu.memory_space<hbm>>) dst(%arg7 : memref<80xi32, #tpu.memory_space<vmem>>)
        tpu.yield
      }) : () -> ()
      %dma_start3A = arith.constant 0 : i32
      %dma_start3A_12 = arith.constant 0 : i32
      %dma_start3A_13 = tpu.memref_slice %arg2[%dma_start3A, %dma_start3A_12] : memref<10000x128xf32, #tpu.memory_space<hbm>> -> memref<10000x128xf32, #tpu.memory_space<hbm>>
      tpu.enqueue_indirect_dma source(%dma_start3A_13 : memref<10000x128xf32, #tpu.memory_space<hbm>>) target(%arg8 : memref<80x128xf32, #tpu.memory_space<vmem>>) offsets(%arg6 : memref<80xi32, #tpu.memory_space<vmem>>) semaphore(%arg12 : memref<!tpu.dma_semaphore, #tpu.memory_space<semaphore_mem>>)
      %dma_start3A_14 = arith.constant 0 : i32
      %dma_start3A_15 = arith.constant 0 : i32
      %dma_start3A_16 = tpu.memref_slice %arg2[%dma_start3A_14, %dma_start3A_15] : memref<10000x128xf32, #tpu.memory_space<hbm>> -> memref<10000x128xf32, #tpu.memory_space<hbm>>
      tpu.enqueue_indirect_dma source(%dma_start3A_16 : memref<10000x128xf32, #tpu.memory_space<hbm>>) target(%arg9 : memref<80x128xf32, #tpu.memory_space<vmem>>) offsets(%arg7 : memref<80xi32, #tpu.memory_space<vmem>>) semaphore(%arg13 : memref<!tpu.dma_semaphore, #tpu.memory_space<semaphore_mem>>)
      %dma_wait3A = arith.constant 0 : i32
      %dma_wait3A_17 = arith.constant 0 : i32
      %dma_wait3A_18 = tpu.memref_slice %arg2[%dma_wait3A, %dma_wait3A_17] : memref<10000x128xf32, #tpu.memory_space<hbm>> -> memref<10000x128xf32, #tpu.memory_space<hbm>>
      tpu.wait_indirect_dma semaphore(%arg12 : memref<!tpu.dma_semaphore, #tpu.memory_space<semaphore_mem>>) src(%dma_wait3A_18 : memref<10000x128xf32, #tpu.memory_space<hbm>>) dst(%arg8 : memref<80x128xf32, #tpu.memory_space<vmem>>)
      %dma_wait3A_19 = arith.constant 0 : i32
      %dma_wait3A_20 = arith.constant 0 : i32
      %dma_wait3A_21 = tpu.memref_slice %arg2[%dma_wait3A_19, %dma_wait3A_20] : memref<10000x128xf32, #tpu.memory_space<hbm>> -> memref<10000x128xf32, #tpu.memory_space<hbm>>
      tpu.wait_indirect_dma semaphore(%arg13 : memref<!tpu.dma_semaphore, #tpu.memory_space<semaphore_mem>>) src(%dma_wait3A_21 : memref<10000x128xf32, #tpu.memory_space<hbm>>) dst(%arg9 : memref<80x128xf32, #tpu.memory_space<vmem>>)
      %scan3A_22 = arith.constant 0 : i32
      %scan3A_23 = arith.constant 0 : i32
      %scan3A_24 = arith.constant 20 : i32
      %scan3A_25 = arith.addi %scan3A_23, %scan3A_24 : i32
      %scan3A_26 = arith.constant 1 : i32
      scf.for %scan3A_34 = %scan3A_23 to %scan3A_25 step %scan3A_26  : i32 {
        %mul3A_35 = arith.constant 4 : i32
        %mul3A_36 = arith.muli %scan3A_34, %mul3A_35 : i32
        %add3A_37 = arith.constant 0 : i32
        %add3A_38 = arith.addi %mul3A_36, %add3A_37 : i32
        %get3A = arith.index_cast %add3A_38 : i32 to index
        %get3A_39 = arith.constant 0 : index
        %get3A_40 = tpu.vector_load %arg8[%get3A, %get3A_39] {strides = array<i32>} : memref<80x128xf32, #tpu.memory_space<vmem>>, vector<16xf32>,
        %get3A_41 = arith.index_cast %add3A_38 : i32 to index
        %get3A_42 = arith.constant 0 : index
        %get3A_43 = tpu.vector_load %arg9[%get3A_41, %get3A_42] {strides = array<i32>} : memref<80x128xf32, #tpu.memory_space<vmem>>, vector<16xf32>,
        %mul3A_44 = arith.mulf %get3A_40, %get3A_43 : vector<16xf32>
        %get3A_45 = arith.index_cast %add3A_38 : i32 to index
        %get3A_46 = arith.constant 16 : index
        %get3A_47 = tpu.vector_load %arg8[%get3A_45, %get3A_46] {strides = array<i32>} : memref<80x128xf32, #tpu.memory_space<vmem>>, vector<16xf32>,
        %get3A_48 = arith.index_cast %add3A_38 : i32 to index
        %get3A_49 = arith.constant 16 : index
        %get3A_50 = tpu.vector_load %arg9[%get3A_48, %get3A_49] {strides = array<i32>} : memref<80x128xf32, #tpu.memory_space<vmem>>, vector<16xf32>,
        %mul3A_51 = arith.mulf %get3A_47, %get3A_50 : vector<16xf32>
        %add3A_52 = arith.addf %mul3A_44, %mul3A_51 : vector<16xf32>
        %get3A_53 = arith.index_cast %add3A_38 : i32 to index
        %get3A_54 = arith.constant 32 : index
        %get3A_55 = tpu.vector_load %arg8[%get3A_53, %get3A_54] {strides = array<i32>} : memref<80x128xf32, #tpu.memory_space<vmem>>, vector<16xf32>,
        %get3A_56 = arith.index_cast %add3A_38 : i32 to index
        %get3A_57 = arith.constant 32 : index
        %get3A_58 = tpu.vector_load %arg9[%get3A_56, %get3A_57] {strides = array<i32>} : memref<80x128xf32, #tpu.memory_space<vmem>>, vector<16xf32>,
        %mul3A_59 = arith.mulf %get3A_55, %get3A_58 : vector<16xf32>
        %add3A_60 = arith.addf %add3A_52, %mul3A_59 : vector<16xf32>
        %get3A_61 = arith.index_cast %add3A_38 : i32 to index
        %get3A_62 = arith.constant 48 : index
        %get3A_63 = tpu.vector_load %arg8[%get3A_61, %get3A_62] {strides = array<i32>} : memref<80x128xf32, #tpu.memory_space<vmem>>, vector<16xf32>,
        %get3A_64 = arith.index_cast %add3A_38 : i32 to index
        %get3A_65 = arith.constant 48 : index
        %get3A_66 = tpu.vector_load %arg9[%get3A_64, %get3A_65] {strides = array<i32>} : memref<80x128xf32, #tpu.memory_space<vmem>>, vector<16xf32>,
        %mul3A_67 = arith.mulf %get3A_63, %get3A_66 : vector<16xf32>
        %add3A_68 = arith.addf %add3A_60, %mul3A_67 : vector<16xf32>
        %get3A_69 = arith.index_cast %add3A_38 : i32 to index
        %get3A_70 = arith.constant 64 : index
        %get3A_71 = tpu.vector_load %arg8[%get3A_69, %get3A_70] {strides = array<i32>} : memref<80x128xf32, #tpu.memory_space<vmem>>, vector<16xf32>,
        %get3A_72 = arith.index_cast %add3A_38 : i32 to index
        %get3A_73 = arith.constant 64 : index
        %get3A_74 = tpu.vector_load %arg9[%get3A_72, %get3A_73] {strides = array<i32>} : memref<80x128xf32, #tpu.memory_space<vmem>>, vector<16xf32>,
        %mul3A_75 = arith.mulf %get3A_71, %get3A_74 : vector<16xf32>
        %add3A_76 = arith.addf %add3A_68, %mul3A_75 : vector<16xf32>
        %get3A_77 = arith.index_cast %add3A_38 : i32 to index
        %get3A_78 = arith.constant 80 : index
        %get3A_79 = tpu.vector_load %arg8[%get3A_77, %get3A_78] {strides = array<i32>} : memref<80x128xf32, #tpu.memory_space<vmem>>, vector<16xf32>,
        %get3A_80 = arith.index_cast %add3A_38 : i32 to index
        %get3A_81 = arith.constant 80 : index
        %get3A_82 = tpu.vector_load %arg9[%get3A_80, %get3A_81] {strides = array<i32>} : memref<80x128xf32, #tpu.memory_space<vmem>>, vector<16xf32>,
        %mul3A_83 = arith.mulf %get3A_79, %get3A_82 : vector<16xf32>
        %add3A_84 = arith.addf %add3A_76, %mul3A_83 : vector<16xf32>
        %get3A_85 = arith.index_cast %add3A_38 : i32 to index
        %get3A_86 = arith.constant 96 : index
        %get3A_87 = tpu.vector_load %arg8[%get3A_85, %get3A_86] {strides = array<i32>} : memref<80x128xf32, #tpu.memory_space<vmem>>, vector<16xf32>,
        %get3A_88 = arith.index_cast %add3A_38 : i32 to index
        %get3A_89 = arith.constant 96 : index
        %get3A_90 = tpu.vector_load %arg9[%get3A_88, %get3A_89] {strides = array<i32>} : memref<80x128xf32, #tpu.memory_space<vmem>>, vector<16xf32>,
        %mul3A_91 = arith.mulf %get3A_87, %get3A_90 : vector<16xf32>
        %add3A_92 = arith.addf %add3A_84, %mul3A_91 : vector<16xf32>
        %get3A_93 = arith.index_cast %add3A_38 : i32 to index
        %get3A_94 = arith.constant 112 : index
        %get3A_95 = tpu.vector_load %arg8[%get3A_93, %get3A_94] {strides = array<i32>} : memref<80x128xf32, #tpu.memory_space<vmem>>, vector<16xf32>,
        %get3A_96 = arith.index_cast %add3A_38 : i32 to index
        %get3A_97 = arith.constant 112 : index
        %get3A_98 = tpu.vector_load %arg9[%get3A_96, %get3A_97] {strides = array<i32>} : memref<80x128xf32, #tpu.memory_space<vmem>>, vector<16xf32>,
        %mul3A_99 = arith.mulf %get3A_95, %get3A_98 : vector<16xf32>
        %add3A_100 = arith.addf %add3A_92, %mul3A_99 : vector<16xf32>
        %mul3A_101 = arith.constant 16 : i32
        %mul3A_102 = arith.muli %add3A_38, %mul3A_101 : i32
        %swap3A = arith.index_cast %mul3A_102 : i32 to index
        %swap3A_103 = tpu.vector_load %arg10[%swap3A] {strides = array<i32>} : memref<1280xf32, #tpu.memory_space<vmem>>, vector<16xf32>,
        tpu.vector_store %arg10[%swap3A], %add3A_100 {strides = array<i32>} : memref<1280xf32, #tpu.memory_space<vmem>>, vector<16xf32>,
        %mul3A_104 = arith.constant 4 : i32
        %mul3A_105 = arith.muli %scan3A_34, %mul3A_104 : i32
        %add3A_106 = arith.constant 1 : i32
        %add3A_107 = arith.addi %mul3A_105, %add3A_106 : i32
        %get3A_108 = arith.index_cast %add3A_107 : i32 to index
        %get3A_109 = arith.constant 0 : index
        %get3A_110 = tpu.vector_load %arg8[%get3A_108, %get3A_109] {strides = array<i32>} : memref<80x128xf32, #tpu.memory_space<vmem>>, vector<16xf32>,
        %get3A_111 = arith.index_cast %add3A_107 : i32 to index
        %get3A_112 = arith.constant 0 : index
        %get3A_113 = tpu.vector_load %arg9[%get3A_111, %get3A_112] {strides = array<i32>} : memref<80x128xf32, #tpu.memory_space<vmem>>, vector<16xf32>,
        %mul3A_114 = arith.mulf %get3A_110, %get3A_113 : vector<16xf32>
        %get3A_115 = arith.index_cast %add3A_107 : i32 to index
        %get3A_116 = arith.constant 16 : index
        %get3A_117 = tpu.vector_load %arg8[%get3A_115, %get3A_116] {strides = array<i32>} : memref<80x128xf32, #tpu.memory_space<vmem>>, vector<16xf32>,
        %get3A_118 = arith.index_cast %add3A_107 : i32 to index
        %get3A_119 = arith.constant 16 : index
        %get3A_120 = tpu.vector_load %arg9[%get3A_118, %get3A_119] {strides = array<i32>} : memref<80x128xf32, #tpu.memory_space<vmem>>, vector<16xf32>,
        %mul3A_121 = arith.mulf %get3A_117, %get3A_120 : vector<16xf32>
        %add3A_122 = arith.addf %mul3A_114, %mul3A_121 : vector<16xf32>
        %get3A_123 = arith.index_cast %add3A_107 : i32 to index
        %get3A_124 = arith.constant 32 : index
        %get3A_125 = tpu.vector_load %arg8[%get3A_123, %get3A_124] {strides = array<i32>} : memref<80x128xf32, #tpu.memory_space<vmem>>, vector<16xf32>,
        %get3A_126 = arith.index_cast %add3A_107 : i32 to index
        %get3A_127 = arith.constant 32 : index
        %get3A_128 = tpu.vector_load %arg9[%get3A_126, %get3A_127] {strides = array<i32>} : memref<80x128xf32, #tpu.memory_space<vmem>>, vector<16xf32>,
        %mul3A_129 = arith.mulf %get3A_125, %get3A_128 : vector<16xf32>
        %add3A_130 = arith.addf %add3A_122, %mul3A_129 : vector<16xf32>
        %get3A_131 = arith.index_cast %add3A_107 : i32 to index
        %get3A_132 = arith.constant 48 : index
        %get3A_133 = tpu.vector_load %arg8[%get3A_131, %get3A_132] {strides = array<i32>} : memref<80x128xf32, #tpu.memory_space<vmem>>, vector<16xf32>,
        %get3A_134 = arith.index_cast %add3A_107 : i32 to index
        %get3A_135 = arith.constant 48 : index
        %get3A_136 = tpu.vector_load %arg9[%get3A_134, %get3A_135] {strides = array<i32>} : memref<80x128xf32, #tpu.memory_space<vmem>>, vector<16xf32>,
        %mul3A_137 = arith.mulf %get3A_133, %get3A_136 : vector<16xf32>
        %add3A_138 = arith.addf %add3A_130, %mul3A_137 : vector<16xf32>
        %get3A_139 = arith.index_cast %add3A_107 : i32 to index
        %get3A_140 = arith.constant 64 : index
        %get3A_141 = tpu.vector_load %arg8[%get3A_139, %get3A_140] {strides = array<i32>} : memref<80x128xf32, #tpu.memory_space<vmem>>, vector<16xf32>,
        %get3A_142 = arith.index_cast %add3A_107 : i32 to index
        %get3A_143 = arith.constant 64 : index
        %get3A_144 = tpu.vector_load %arg9[%get3A_142, %get3A_143] {strides = array<i32>} : memref<80x128xf32, #tpu.memory_space<vmem>>, vector<16xf32>,
        %mul3A_145 = arith.mulf %get3A_141, %get3A_144 : vector<16xf32>
        %add3A_146 = arith.addf %add3A_138, %mul3A_145 : vector<16xf32>
        %get3A_147 = arith.index_cast %add3A_107 : i32 to index
        %get3A_148 = arith.constant 80 : index
        %get3A_149 = tpu.vector_load %arg8[%get3A_147, %get3A_148] {strides = array<i32>} : memref<80x128xf32, #tpu.memory_space<vmem>>, vector<16xf32>,
        %get3A_150 = arith.index_cast %add3A_107 : i32 to index
        %get3A_151 = arith.constant 80 : index
        %get3A_152 = tpu.vector_load %arg9[%get3A_150, %get3A_151] {strides = array<i32>} : memref<80x128xf32, #tpu.memory_space<vmem>>, vector<16xf32>,
        %mul3A_153 = arith.mulf %get3A_149, %get3A_152 : vector<16xf32>
        %add3A_154 = arith.addf %add3A_146, %mul3A_153 : vector<16xf32>
        %get3A_155 = arith.index_cast %add3A_107 : i32 to index
        %get3A_156 = arith.constant 96 : index
        %get3A_157 = tpu.vector_load %arg8[%get3A_155, %get3A_156] {strides = array<i32>} : memref<80x128xf32, #tpu.memory_space<vmem>>, vector<16xf32>,
        %get3A_158 = arith.index_cast %add3A_107 : i32 to index
        %get3A_159 = arith.constant 96 : index
        %get3A_160 = tpu.vector_load %arg9[%get3A_158, %get3A_159] {strides = array<i32>} : memref<80x128xf32, #tpu.memory_space<vmem>>, vector<16xf32>,
        %mul3A_161 = arith.mulf %get3A_157, %get3A_160 : vector<16xf32>
        %add3A_162 = arith.addf %add3A_154, %mul3A_161 : vector<16xf32>
        %get3A_163 = arith.index_cast %add3A_107 : i32 to index
        %get3A_164 = arith.constant 112 : index
        %get3A_165 = tpu.vector_load %arg8[%get3A_163, %get3A_164] {strides = array<i32>} : memref<80x128xf32, #tpu.memory_space<vmem>>, vector<16xf32>,
        %get3A_166 = arith.index_cast %add3A_107 : i32 to index
        %get3A_167 = arith.constant 112 : index
        %get3A_168 = tpu.vector_load %arg9[%get3A_166, %get3A_167] {strides = array<i32>} : memref<80x128xf32, #tpu.memory_space<vmem>>, vector<16xf32>,
        %mul3A_169 = arith.mulf %get3A_165, %get3A_168 : vector<16xf32>
        %add3A_170 = arith.addf %add3A_162, %mul3A_169 : vector<16xf32>
        %mul3A_171 = arith.constant 16 : i32
        %mul3A_172 = arith.muli %add3A_107, %mul3A_171 : i32
        %swap3A_173 = arith.index_cast %mul3A_172 : i32 to index
        %swap3A_174 = tpu.vector_load %arg10[%swap3A_173] {strides = array<i32>} : memref<1280xf32, #tpu.memory_space<vmem>>, vector<16xf32>,
        tpu.vector_store %arg10[%swap3A_173], %add3A_170 {strides = array<i32>} : memref<1280xf32, #tpu.memory_space<vmem>>, vector<16xf32>,
        %mul3A_175 = arith.constant 4 : i32
        %mul3A_176 = arith.muli %scan3A_34, %mul3A_175 : i32
        %add3A_177 = arith.constant 2 : i32
        %add3A_178 = arith.addi %mul3A_176, %add3A_177 : i32
        %get3A_179 = arith.index_cast %add3A_178 : i32 to index
        %get3A_180 = arith.constant 0 : index
        %get3A_181 = tpu.vector_load %arg8[%get3A_179, %get3A_180] {strides = array<i32>} : memref<80x128xf32, #tpu.memory_space<vmem>>, vector<16xf32>,
        %get3A_182 = arith.index_cast %add3A_178 : i32 to index
        %get3A_183 = arith.constant 0 : index
        %get3A_184 = tpu.vector_load %arg9[%get3A_182, %get3A_183] {strides = array<i32>} : memref<80x128xf32, #tpu.memory_space<vmem>>, vector<16xf32>,
        %mul3A_185 = arith.mulf %get3A_181, %get3A_184 : vector<16xf32>
        %get3A_186 = arith.index_cast %add3A_178 : i32 to index
        %get3A_187 = arith.constant 16 : index
        %get3A_188 = tpu.vector_load %arg8[%get3A_186, %get3A_187] {strides = array<i32>} : memref<80x128xf32, #tpu.memory_space<vmem>>, vector<16xf32>,
        %get3A_189 = arith.index_cast %add3A_178 : i32 to index
        %get3A_190 = arith.constant 16 : index
        %get3A_191 = tpu.vector_load %arg9[%get3A_189, %get3A_190] {strides = array<i32>} : memref<80x128xf32, #tpu.memory_space<vmem>>, vector<16xf32>,
        %mul3A_192 = arith.mulf %get3A_188, %get3A_191 : vector<16xf32>
        %add3A_193 = arith.addf %mul3A_185, %mul3A_192 : vector<16xf32>
        %get3A_194 = arith.index_cast %add3A_178 : i32 to index
        %get3A_195 = arith.constant 32 : index
        %get3A_196 = tpu.vector_load %arg8[%get3A_194, %get3A_195] {strides = array<i32>} : memref<80x128xf32, #tpu.memory_space<vmem>>, vector<16xf32>,
        %get3A_197 = arith.index_cast %add3A_178 : i32 to index
        %get3A_198 = arith.constant 32 : index
        %get3A_199 = tpu.vector_load %arg9[%get3A_197, %get3A_198] {strides = array<i32>} : memref<80x128xf32, #tpu.memory_space<vmem>>, vector<16xf32>,
        %mul3A_200 = arith.mulf %get3A_196, %get3A_199 : vector<16xf32>
        %add3A_201 = arith.addf %add3A_193, %mul3A_200 : vector<16xf32>
        %get3A_202 = arith.index_cast %add3A_178 : i32 to index
        %get3A_203 = arith.constant 48 : index
        %get3A_204 = tpu.vector_load %arg8[%get3A_202, %get3A_203] {strides = array<i32>} : memref<80x128xf32, #tpu.memory_space<vmem>>, vector<16xf32>,
        %get3A_205 = arith.index_cast %add3A_178 : i32 to index
        %get3A_206 = arith.constant 48 : index
        %get3A_207 = tpu.vector_load %arg9[%get3A_205, %get3A_206] {strides = array<i32>} : memref<80x128xf32, #tpu.memory_space<vmem>>, vector<16xf32>,
        %mul3A_208 = arith.mulf %get3A_204, %get3A_207 : vector<16xf32>
        %add3A_209 = arith.addf %add3A_201, %mul3A_208 : vector<16xf32>
        %get3A_210 = arith.index_cast %add3A_178 : i32 to index
        %get3A_211 = arith.constant 64 : index
        %get3A_212 = tpu.vector_load %arg8[%get3A_210, %get3A_211] {strides = array<i32>} : memref<80x128xf32, #tpu.memory_space<vmem>>, vector<16xf32>,
        %get3A_213 = arith.index_cast %add3A_178 : i32 to index
        %get3A_214 = arith.constant 64 : index
        %get3A_215 = tpu.vector_load %arg9[%get3A_213, %get3A_214] {strides = array<i32>} : memref<80x128xf32, #tpu.memory_space<vmem>>, vector<16xf32>,
        %mul3A_216 = arith.mulf %get3A_212, %get3A_215 : vector<16xf32>
        %add3A_217 = arith.addf %add3A_209, %mul3A_216 : vector<16xf32>
        %get3A_218 = arith.index_cast %add3A_178 : i32 to index
        %get3A_219 = arith.constant 80 : index
        %get3A_220 = tpu.vector_load %arg8[%get3A_218, %get3A_219] {strides = array<i32>} : memref<80x128xf32, #tpu.memory_space<vmem>>, vector<16xf32>,
        %get3A_221 = arith.index_cast %add3A_178 : i32 to index
        %get3A_222 = arith.constant 80 : index
        %get3A_223 = tpu.vector_load %arg9[%get3A_221, %get3A_222] {strides = array<i32>} : memref<80x128xf32, #tpu.memory_space<vmem>>, vector<16xf32>,
        %mul3A_224 = arith.mulf %get3A_220, %get3A_223 : vector<16xf32>
        %add3A_225 = arith.addf %add3A_217, %mul3A_224 : vector<16xf32>
        %get3A_226 = arith.index_cast %add3A_178 : i32 to index
        %get3A_227 = arith.constant 96 : index
        %get3A_228 = tpu.vector_load %arg8[%get3A_226, %get3A_227] {strides = array<i32>} : memref<80x128xf32, #tpu.memory_space<vmem>>, vector<16xf32>,
        %get3A_229 = arith.index_cast %add3A_178 : i32 to index
        %get3A_230 = arith.constant 96 : index
        %get3A_231 = tpu.vector_load %arg9[%get3A_229, %get3A_230] {strides = array<i32>} : memref<80x128xf32, #tpu.memory_space<vmem>>, vector<16xf32>,
        %mul3A_232 = arith.mulf %get3A_228, %get3A_231 : vector<16xf32>
        %add3A_233 = arith.addf %add3A_225, %mul3A_232 : vector<16xf32>
        %get3A_234 = arith.index_cast %add3A_178 : i32 to index
        %get3A_235 = arith.constant 112 : index
        %get3A_236 = tpu.vector_load %arg8[%get3A_234, %get3A_235] {strides = array<i32>} : memref<80x128xf32, #tpu.memory_space<vmem>>, vector<16xf32>,
        %get3A_237 = arith.index_cast %add3A_178 : i32 to index
        %get3A_238 = arith.constant 112 : index
        %get3A_239 = tpu.vector_load %arg9[%get3A_237, %get3A_238] {strides = array<i32>} : memref<80x128xf32, #tpu.memory_space<vmem>>, vector<16xf32>,
        %mul3A_240 = arith.mulf %get3A_236, %get3A_239 : vector<16xf32>
        %add3A_241 = arith.addf %add3A_233, %mul3A_240 : vector<16xf32>
        %mul3A_242 = arith.constant 16 : i32
        %mul3A_243 = arith.muli %add3A_178, %mul3A_242 : i32
        %swap3A_244 = arith.index_cast %mul3A_243 : i32 to index
        %swap3A_245 = tpu.vector_load %arg10[%swap3A_244] {strides = array<i32>} : memref<1280xf32, #tpu.memory_space<vmem>>, vector<16xf32>,
        tpu.vector_store %arg10[%swap3A_244], %add3A_241 {strides = array<i32>} : memref<1280xf32, #tpu.memory_space<vmem>>, vector<16xf32>,
        %mul3A_246 = arith.constant 4 : i32
        %mul3A_247 = arith.muli %scan3A_34, %mul3A_246 : i32
        %add3A_248 = arith.constant 3 : i32
        %add3A_249 = arith.addi %mul3A_247, %add3A_248 : i32
        %get3A_250 = arith.index_cast %add3A_249 : i32 to index
        %get3A_251 = arith.constant 0 : index
        %get3A_252 = tpu.vector_load %arg8[%get3A_250, %get3A_251] {strides = array<i32>} : memref<80x128xf32, #tpu.memory_space<vmem>>, vector<16xf32>,
        %get3A_253 = arith.index_cast %add3A_249 : i32 to index
        %get3A_254 = arith.constant 0 : index
        %get3A_255 = tpu.vector_load %arg9[%get3A_253, %get3A_254] {strides = array<i32>} : memref<80x128xf32, #tpu.memory_space<vmem>>, vector<16xf32>,
        %mul3A_256 = arith.mulf %get3A_252, %get3A_255 : vector<16xf32>
        %get3A_257 = arith.index_cast %add3A_249 : i32 to index
        %get3A_258 = arith.constant 16 : index
        %get3A_259 = tpu.vector_load %arg8[%get3A_257, %get3A_258] {strides = array<i32>} : memref<80x128xf32, #tpu.memory_space<vmem>>, vector<16xf32>,
        %get3A_260 = arith.index_cast %add3A_249 : i32 to index
        %get3A_261 = arith.constant 16 : index
        %get3A_262 = tpu.vector_load %arg9[%get3A_260, %get3A_261] {strides = array<i32>} : memref<80x128xf32, #tpu.memory_space<vmem>>, vector<16xf32>,
        %mul3A_263 = arith.mulf %get3A_259, %get3A_262 : vector<16xf32>
        %add3A_264 = arith.addf %mul3A_256, %mul3A_263 : vector<16xf32>
        %get3A_265 = arith.index_cast %add3A_249 : i32 to index
        %get3A_266 = arith.constant 32 : index
        %get3A_267 = tpu.vector_load %arg8[%get3A_265, %get3A_266] {strides = array<i32>} : memref<80x128xf32, #tpu.memory_space<vmem>>, vector<16xf32>,
        %get3A_268 = arith.index_cast %add3A_249 : i32 to index
        %get3A_269 = arith.constant 32 : index
        %get3A_270 = tpu.vector_load %arg9[%get3A_268, %get3A_269] {strides = array<i32>} : memref<80x128xf32, #tpu.memory_space<vmem>>, vector<16xf32>,
        %mul3A_271 = arith.mulf %get3A_267, %get3A_270 : vector<16xf32>
        %add3A_272 = arith.addf %add3A_264, %mul3A_271 : vector<16xf32>
        %get3A_273 = arith.index_cast %add3A_249 : i32 to index
        %get3A_274 = arith.constant 48 : index
        %get3A_275 = tpu.vector_load %arg8[%get3A_273, %get3A_274] {strides = array<i32>} : memref<80x128xf32, #tpu.memory_space<vmem>>, vector<16xf32>,
        %get3A_276 = arith.index_cast %add3A_249 : i32 to index
        %get3A_277 = arith.constant 48 : index
        %get3A_278 = tpu.vector_load %arg9[%get3A_276, %get3A_277] {strides = array<i32>} : memref<80x128xf32, #tpu.memory_space<vmem>>, vector<16xf32>,
        %mul3A_279 = arith.mulf %get3A_275, %get3A_278 : vector<16xf32>
        %add3A_280 = arith.addf %add3A_272, %mul3A_279 : vector<16xf32>
        %get3A_281 = arith.index_cast %add3A_249 : i32 to index
        %get3A_282 = arith.constant 64 : index
        %get3A_283 = tpu.vector_load %arg8[%get3A_281, %get3A_282] {strides = array<i32>} : memref<80x128xf32, #tpu.memory_space<vmem>>, vector<16xf32>,
        %get3A_284 = arith.index_cast %add3A_249 : i32 to index
        %get3A_285 = arith.constant 64 : index
        %get3A_286 = tpu.vector_load %arg9[%get3A_284, %get3A_285] {strides = array<i32>} : memref<80x128xf32, #tpu.memory_space<vmem>>, vector<16xf32>,
        %mul3A_287 = arith.mulf %get3A_283, %get3A_286 : vector<16xf32>
        %add3A_288 = arith.addf %add3A_280, %mul3A_287 : vector<16xf32>
        %get3A_289 = arith.index_cast %add3A_249 : i32 to index
        %get3A_290 = arith.constant 80 : index
        %get3A_291 = tpu.vector_load %arg8[%get3A_289, %get3A_290] {strides = array<i32>} : memref<80x128xf32, #tpu.memory_space<vmem>>, vector<16xf32>,
        %get3A_292 = arith.index_cast %add3A_249 : i32 to index
        %get3A_293 = arith.constant 80 : index
        %get3A_294 = tpu.vector_load %arg9[%get3A_292, %get3A_293] {strides = array<i32>} : memref<80x128xf32, #tpu.memory_space<vmem>>, vector<16xf32>,
        %mul3A_295 = arith.mulf %get3A_291, %get3A_294 : vector<16xf32>
        %add3A_296 = arith.addf %add3A_288, %mul3A_295 : vector<16xf32>
        %get3A_297 = arith.index_cast %add3A_249 : i32 to index
        %get3A_298 = arith.constant 96 : index
        %get3A_299 = tpu.vector_load %arg8[%get3A_297, %get3A_298] {strides = array<i32>} : memref<80x128xf32, #tpu.memory_space<vmem>>, vector<16xf32>,
        %get3A_300 = arith.index_cast %add3A_249 : i32 to index
        %get3A_301 = arith.constant 96 : index
        %get3A_302 = tpu.vector_load %arg9[%get3A_300, %get3A_301] {strides = array<i32>} : memref<80x128xf32, #tpu.memory_space<vmem>>, vector<16xf32>,
        %mul3A_303 = arith.mulf %get3A_299, %get3A_302 : vector<16xf32>
        %add3A_304 = arith.addf %add3A_296, %mul3A_303 : vector<16xf32>
        %get3A_305 = arith.index_cast %add3A_249 : i32 to index
        %get3A_306 = arith.constant 112 : index
        %get3A_307 = tpu.vector_load %arg8[%get3A_305, %get3A_306] {strides = array<i32>} : memref<80x128xf32, #tpu.memory_space<vmem>>, vector<16xf32>,
        %get3A_308 = arith.index_cast %add3A_249 : i32 to index
        %get3A_309 = arith.constant 112 : index
        %get3A_310 = tpu.vector_load %arg9[%get3A_308, %get3A_309] {strides = array<i32>} : memref<80x128xf32, #tpu.memory_space<vmem>>, vector<16xf32>,
        %mul3A_311 = arith.mulf %get3A_307, %get3A_310 : vector<16xf32>
        %add3A_312 = arith.addf %add3A_304, %mul3A_311 : vector<16xf32>
        %mul3A_313 = arith.constant 16 : i32
        %mul3A_314 = arith.muli %add3A_249, %mul3A_313 : i32
        %swap3A_315 = arith.index_cast %mul3A_314 : i32 to index
        %swap3A_316 = tpu.vector_load %arg10[%swap3A_315] {strides = array<i32>} : memref<1280xf32, #tpu.memory_space<vmem>>, vector<16xf32>,
        tpu.vector_store %arg10[%swap3A_315], %add3A_312 {strides = array<i32>} : memref<1280xf32, #tpu.memory_space<vmem>>, vector<16xf32>,
      }
      %scan3A_27 = arith.constant 20 : i32
      %scan3A_28 = arith.constant 0 : i32
      %scan3A_29 = arith.constant 0 : i32
      %scan3A_30 = arith.constant 5 : i32
      %scan3A_31 = arith.addi %scan3A_29, %scan3A_30 : i32
      %scan3A_32 = arith.constant 1 : i32
      scf.for %scan3A_34 = %scan3A_29 to %scan3A_31 step %scan3A_32  : i32 {
        %mul3A_35 = arith.constant 16 : i32
        %mul3A_36 = arith.muli %scan3A_34, %mul3A_35 : i32
        %add3A_37 = vector.broadcast %mul3A_36 : i32 to vector<16xi32>
        %add3A_38 = arith.addi %add3A_37, %iota3A : vector<16xi32>
        %mul3A_39 = arith.constant 16 : i32
        %mul3A_40 = vector.broadcast %mul3A_39 : i32 to vector<16xi32>
        %mul3A_41 = arith.muli %add3A_38, %mul3A_40 : vector<16xi32>
        %gather3A = tpu.vector_load_idx %arg10[%mul3A_41] : memref<1280xf32, #tpu.memory_space<vmem>>[vector<16xi32>], vector<16xf32>,
        %add3A_42 = arith.constant 1 : i32
        %add3A_43 = vector.broadcast %add3A_42 : i32 to vector<16xi32>
        %add3A_44 = arith.addi %mul3A_41, %add3A_43 : vector<16xi32>
        %gather3A_45 = tpu.vector_load_idx %arg10[%add3A_44] : memref<1280xf32, #tpu.memory_space<vmem>>[vector<16xi32>], vector<16xf32>,
        %add3A_46 = arith.addf %gather3A, %gather3A_45 : vector<16xf32>
        %add3A_47 = arith.constant 2 : i32
        %add3A_48 = vector.broadcast %add3A_47 : i32 to vector<16xi32>
        %add3A_49 = arith.addi %mul3A_41, %add3A_48 : vector<16xi32>
        %gather3A_50 = tpu.vector_load_idx %arg10[%add3A_49] : memref<1280xf32, #tpu.memory_space<vmem>>[vector<16xi32>], vector<16xf32>,
        %add3A_51 = arith.addf %add3A_46, %gather3A_50 : vector<16xf32>
        %add3A_52 = arith.constant 3 : i32
        %add3A_53 = vector.broadcast %add3A_52 : i32 to vector<16xi32>
        %add3A_54 = arith.addi %mul3A_41, %add3A_53 : vector<16xi32>
        %gather3A_55 = tpu.vector_load_idx %arg10[%add3A_54] : memref<1280xf32, #tpu.memory_space<vmem>>[vector<16xi32>], vector<16xf32>,
        %add3A_56 = arith.addf %add3A_51, %gather3A_55 : vector<16xf32>
        %add3A_57 = arith.constant 4 : i32
        %add3A_58 = vector.broadcast %add3A_57 : i32 to vector<16xi32>
        %add3A_59 = arith.addi %mul3A_41, %add3A_58 : vector<16xi32>
        %gather3A_60 = tpu.vector_load_idx %arg10[%add3A_59] : memref<1280xf32, #tpu.memory_space<vmem>>[vector<16xi32>], vector<16xf32>,
        %add3A_61 = arith.addf %add3A_56, %gather3A_60 : vector<16xf32>
        %add3A_62 = arith.constant 5 : i32
        %add3A_63 = vector.broadcast %add3A_62 : i32 to vector<16xi32>
        %add3A_64 = arith.addi %mul3A_41, %add3A_63 : vector<16xi32>
        %gather3A_65 = tpu.vector_load_idx %arg10[%add3A_64] : memref<1280xf32, #tpu.memory_space<vmem>>[vector<16xi32>], vector<16xf32>,
        %add3A_66 = arith.addf %add3A_61, %gather3A_65 : vector<16xf32>
        %add3A_67 = arith.constant 6 : i32
        %add3A_68 = vector.broadcast %add3A_67 : i32 to vector<16xi32>
        %add3A_69 = arith.addi %mul3A_41, %add3A_68 : vector<16xi32>
        %gather3A_70 = tpu.vector_load_idx %arg10[%add3A_69] : memref<1280xf32, #tpu.memory_space<vmem>>[vector<16xi32>], vector<16xf32>,
        %add3A_71 = arith.addf %add3A_66, %gather3A_70 : vector<16xf32>
        %add3A_72 = arith.constant 7 : i32
        %add3A_73 = vector.broadcast %add3A_72 : i32 to vector<16xi32>
        %add3A_74 = arith.addi %mul3A_41, %add3A_73 : vector<16xi32>
        %gather3A_75 = tpu.vector_load_idx %arg10[%add3A_74] : memref<1280xf32, #tpu.memory_space<vmem>>[vector<16xi32>], vector<16xf32>,
        %add3A_76 = arith.addf %add3A_71, %gather3A_75 : vector<16xf32>
        %add3A_77 = arith.constant 8 : i32
        %add3A_78 = vector.broadcast %add3A_77 : i32 to vector<16xi32>
        %add3A_79 = arith.addi %mul3A_41, %add3A_78 : vector<16xi32>
        %gather3A_80 = tpu.vector_load_idx %arg10[%add3A_79] : memref<1280xf32, #tpu.memory_space<vmem>>[vector<16xi32>], vector<16xf32>,
        %add3A_81 = arith.addf %add3A_76, %gather3A_80 : vector<16xf32>
        %add3A_82 = arith.constant 9 : i32
        %add3A_83 = vector.broadcast %add3A_82 : i32 to vector<16xi32>
        %add3A_84 = arith.addi %mul3A_41, %add3A_83 : vector<16xi32>
        %gather3A_85 = tpu.vector_load_idx %arg10[%add3A_84] : memref<1280xf32, #tpu.memory_space<vmem>>[vector<16xi32>], vector<16xf32>,
        %add3A_86 = arith.addf %add3A_81, %gather3A_85 : vector<16xf32>
        %add3A_87 = arith.constant 10 : i32
        %add3A_88 = vector.broadcast %add3A_87 : i32 to vector<16xi32>
        %add3A_89 = arith.addi %mul3A_41, %add3A_88 : vector<16xi32>
        %gather3A_90 = tpu.vector_load_idx %arg10[%add3A_89] : memref<1280xf32, #tpu.memory_space<vmem>>[vector<16xi32>], vector<16xf32>,
        %add3A_91 = arith.addf %add3A_86, %gather3A_90 : vector<16xf32>
        %add3A_92 = arith.constant 11 : i32
        %add3A_93 = vector.broadcast %add3A_92 : i32 to vector<16xi32>
        %add3A_94 = arith.addi %mul3A_41, %add3A_93 : vector<16xi32>
        %gather3A_95 = tpu.vector_load_idx %arg10[%add3A_94] : memref<1280xf32, #tpu.memory_space<vmem>>[vector<16xi32>], vector<16xf32>,
        %add3A_96 = arith.addf %add3A_91, %gather3A_95 : vector<16xf32>
        %add3A_97 = arith.constant 12 : i32
        %add3A_98 = vector.broadcast %add3A_97 : i32 to vector<16xi32>
        %add3A_99 = arith.addi %mul3A_41, %add3A_98 : vector<16xi32>
        %gather3A_100 = tpu.vector_load_idx %arg10[%add3A_99] : memref<1280xf32, #tpu.memory_space<vmem>>[vector<16xi32>], vector<16xf32>,
        %add3A_101 = arith.addf %add3A_96, %gather3A_100 : vector<16xf32>
        %add3A_102 = arith.constant 13 : i32
        %add3A_103 = vector.broadcast %add3A_102 : i32 to vector<16xi32>
        %add3A_104 = arith.addi %mul3A_41, %add3A_103 : vector<16xi32>
        %gather3A_105 = tpu.vector_load_idx %arg10[%add3A_104] : memref<1280xf32, #tpu.memory_space<vmem>>[vector<16xi32>], vector<16xf32>,
        %add3A_106 = arith.addf %add3A_101, %gather3A_105 : vector<16xf32>
        %add3A_107 = arith.constant 14 : i32
        %add3A_108 = vector.broadcast %add3A_107 : i32 to vector<16xi32>
        %add3A_109 = arith.addi %mul3A_41, %add3A_108 : vector<16xi32>
        %gather3A_110 = tpu.vector_load_idx %arg10[%add3A_109] : memref<1280xf32, #tpu.memory_space<vmem>>[vector<16xi32>], vector<16xf32>,
        %add3A_111 = arith.addf %add3A_106, %gather3A_110 : vector<16xf32>
        %add3A_112 = arith.constant 15 : i32
        %add3A_113 = vector.broadcast %add3A_112 : i32 to vector<16xi32>
        %add3A_114 = arith.addi %mul3A_41, %add3A_113 : vector<16xi32>
        %gather3A_115 = tpu.vector_load_idx %arg10[%add3A_114] : memref<1280xf32, #tpu.memory_space<vmem>>[vector<16xi32>], vector<16xf32>,
        %add3A_116 = arith.addf %add3A_111, %gather3A_115 : vector<16xf32>
        %mul3A_117 = arith.constant 80 : i32
        %mul3A_118 = arith.muli %scan3A_8, %mul3A_117 : i32
        %mul3A_119 = arith.constant 16 : i32
        %mul3A_120 = arith.muli %scan3A_34, %mul3A_119 : i32
        %add3A_121 = arith.addi %mul3A_118, %mul3A_120 : i32
        %swap3A = arith.index_cast %add3A_121 : i32 to index
        %swap3A_122 = tpu.vector_load %arg11[%swap3A] {strides = array<i32>} : memref<10016xf32, #tpu.memory_space<vmem>>, vector<16xf32>,
        tpu.vector_store %arg11[%swap3A], %add3A_116 {strides = array<i32>} : memref<10016xf32, #tpu.memory_space<vmem>>, vector<16xf32>,
      }
      %scan3A_33 = arith.constant 5 : i32
    }
    %scan3A_7 = arith.constant 125 : i32
    "tpu.region"() ({
      %run_scoped3A = tpu.sem_alloc : memref<!tpu.dma_semaphore, #tpu.memory_space<semaphore_mem>>
      %dma_start3A = arith.constant 0 : i32
      %dma_start3A_8 = tpu.memref_slice %arg11[%dma_start3A] : memref<10016xf32, #tpu.memory_space<vmem>> -> memref<10000xf32, #tpu.memory_space<vmem>>
      %dma_start3A_9 = tpu.memref_slice %arg5[%mul3A_2] : memref<320000xf32, #tpu.memory_space<hbm>> -> memref<10000xf32, #tpu.memory_space<hbm>>
      %dma_start3A_10 = tpu.memref_slice %arg5[%mul3A_2] : memref<320000xf32, #tpu.memory_space<hbm>> -> memref<10000xf32, #tpu.memory_space<hbm>>
      %dma_start3A_11 = arith.constant 0 : i32
      %dma_start3A_12 = tpu.memref_slice %arg11[%dma_start3A_11] : memref<10016xf32, #tpu.memory_space<vmem>> -> memref<10000xf32, #tpu.memory_space<vmem>>
      tpu.enqueue_dma source(%dma_start3A_12 : memref<10000xf32, #tpu.memory_space<vmem>>) target(%dma_start3A_10 : memref<10000xf32, #tpu.memory_space<hbm>>) target_semaphore(%run_scoped3A : memref<!tpu.dma_semaphore, #tpu.memory_space<semaphore_mem>>)
      %dma_wait3A = arith.constant 0 : i32
      %dma_wait3A_13 = tpu.memref_slice %arg11[%dma_wait3A] : memref<10016xf32, #tpu.memory_space<vmem>> -> memref<10000xf32, #tpu.memory_space<vmem>>
      %dma_wait3A_14 = tpu.memref_slice %arg5[%mul3A_2] : memref<320000xf32, #tpu.memory_space<hbm>> -> memref<10000xf32, #tpu.memory_space<hbm>>
      %dma_wait3A_15 = tpu.memref_slice %arg5[%mul3A_2] : memref<320000xf32, #tpu.memory_space<hbm>> -> memref<10000xf32, #tpu.memory_space<hbm>>
      %dma_wait3A_16 = arith.constant 0 : i32
      %dma_wait3A_17 = tpu.memref_slice %arg11[%dma_wait3A_16] : memref<10016xf32, #tpu.memory_space<vmem>> -> memref<10000xf32, #tpu.memory_space<vmem>>
      tpu.wait_dma2 semaphore(%run_scoped3A : memref<!tpu.dma_semaphore, #tpu.memory_space<semaphore_mem>>) src(%dma_wait3A_17 : memref<10000xf32, #tpu.memory_space<vmem>>) dst(%dma_wait3A_15 : memref<10000xf32, #tpu.memory_space<hbm>>)
      tpu.yield
    }) : () -> ()
    return
  }
}

</mosaic_0001>

<sc_bundles>
// kernel: kernel.3.cloned.1.call-start
scs
__scs_entry_jumppad:
0x0: {  	(pc) =	sbr.rel $0x88, $3  }
0x1: {  	(tag) =	ssettag $0x0;
	lr =	simm.s32 $0x1  }
0x2: {  	[smem:$0x3F9F] =	sst lr;
	_ =	strace $0xD0000000  }
0x3: {  	_ = 	snop  }
0x4: {  	_ = 	snop  }
0x5: {  	_ = 	snop  }
0x6: {  	_ = 	snop  }
0x7: {  	_ = 	snop  }
__scs_overlays_trampoline_lowered:
0x8: {  	[smem:$0x3FAE] =	sst s0  }
0x9: {  	[smem:$0x3FAF] =	sst s1  }
0xa: {  	[smem:$0x3FB0] =	sst s2  }
0xb: {  	[smem:$0x3FB1] =	sst s3  }
0xc: {  	[smem:$0x3FB2] =	sst s4  }
0xd: {  	[smem:$0x3FB3] =	sst s5  }
0xe: {  	[smem:$0x3FB4] =	sst s6  }
0xf: {  	[smem:$0x3FB5] =	sst s7  }
0x10: {  	[smem:$0x3FB6] =	sst s8  }
0x11: {  	[smem:$0x3FB7] =	sst s9;
	s0 =	simm.s32 @!p0 $0x0  }
0x12: {  	s1 =	sld [smem:$0x3F9D];
	s0 =	simm.s32 @p0 $0x1  }
0x13: {  	[smem:$0x3FB8] =	sst s0;
	s0 =	simm.s32 @!p1 $0x0  }
0x14: {  	s2 =	sld [smem:$0x3F9C];
	s0 =	simm.s32 @p1 $0x1  }
0x15: {  	[smem:$0x3FB9] =	sst s0;
	s0 =	simm.s32 @!p2 $0x0  }
0x16: {  	s3 =	sld [smem:$0x3FDB];
	s0 =	simm.s32 @p2 $0x1  }
0x17: {  	s4 =	simm.s32 $0x1BF5;
	[smem:$0x3FBB] =	sst s0  }
0x18: {  	s0 =	sld [smem:$0x3F9E];
	_ =	swait.ge [sflag:s4], $0x0  }
0x19: {  	s7 =	sld [smem:$0x3F9F]  }
0x1a: {  	s8 =	sadd.s32 $0xFFFFE003, lr  }
0x1b: {  	s9 =	sadd.s32 $0xFFFFFEF7, lr;
	s5 =	simm.s32 $0xFFFFFFFF;
	p2 =	slt.u32 s8, $0xFFFFF086  }
0x1c: {  	p1 =	slt.u32 s9, $0xF7A;
	s5 =	simm.s32 @!p2 $0x0  }
0x1d: {  	s5 =	simm.s32 @p1 $0x1;
	p0 =	seq.s32 s7, s2  }
0x1e: {  	s7 =	smul.u32 @!p0 $0xF7A, s2;
	p2 =	seq.s32 @!p0 s5, $0x0  }
0x1f: {  	s9 =	smul.u32 $0xF7A, s1;
	s8 =	simm.s32 @!p0 $0x1BF5;
	p2 =	por !p2, p0  }
0x20: {  	[sflag:s8] =	ssyncset.s32 @!p0 $0xFFFFF086;
	s6 =	sadd.s32 @!p0 s3, s7;
	s7 =	simm.s32 @!p0 $0x108  }
0x21: {  	s3 =	sadd.s32 s3, s9;
	s6 =	sadd.s32 @!p0 $0x88, s6;
	s7 =	simm.s32 @p2 $0x1082  }
0x22: {  	[simem:s7], [sflag:s8] =	dma.local @!p0 [hbm:s6], $0xF7A  }
0x23: {  	s9 =	sor.u32 $0xD0000000, s2;
	s6 =	simm.s32 $0x108;
	_ =	swait.ge @!p0 [sflag:s8], $0x0  }
0x24: {  	s3 =	sadd.s32 $0x88, s3;
	s6 =	simm.s32 @!p1 $0x1082;
	[sflag:s4] =	ssyncset.s32 $0xFFFFF086  }
0x25: {  	[simem:s6], [sflag:s4] =	dma.local [hbm:s3], $0xF7A  }
0x26: {  	[smem:$0x3F9F] =	sst s1;
	(tag) =	ssettag s2;
	_ =	strace s9  }
0x27: {  	s1 =	sld [smem:$0x3FAF]  }
0x28: {  	s2 =	sld [smem:$0x3FB0]  }
0x29: {  	s4 =	sld [smem:$0x3FB2]  }
0x2a: {  	p0 =	seq.s32 s5, $0x0;
	s5 =	sld [smem:$0x3FB3]  }
0x2b: {  	s6 =	sld [smem:$0x3FB4]  }
0x2c: {  	s7 =	sld [smem:$0x3FB5]  }
0x2d: {  	s3 =	simm.s32 $0x108;
	s8 =	sld [smem:$0x3FB6]  }
0x2e: {  	s3 =	simm.s32 @!p0 $0x1082;
	s9 =	sld [smem:$0x3FB7]  }
0x2f: {  	lr =	sadd.s32 s0, s3;
	s0 =	sld [smem:$0x3FAE]  }
0x30: {  	s3 =	sld [smem:$0x3FB1]  }
0x31: {  	[smem:$0x3FBA] =	sst s10  }
0x32: {  	s10 =	sld [smem:$0x3FB8];
	_ =	sdelay $0x3  }
0x33: {  	p0 =	seq.s32 s10, $0x1;
	s10 =	sld [smem:$0x3FBA];
	_ =	sdelay $0x3  }
0x34: {  	[smem:$0x3FBA] =	sst s10  }
0x35: {  	s10 =	sld [smem:$0x3FB9];
	_ =	sdelay $0x3  }
0x36: {  	p1 =	seq.s32 s10, $0x1;
	s10 =	sld [smem:$0x3FBA];
	_ =	sdelay $0x3  }
0x37: {  	[smem:$0x3FBA] =	sst s10  }
0x38: {  	s10 =	sld [smem:$0x3FBB]  }
0x39: {  	_ = 	snop;
	(pc) =	sbr.ind lr, $3  }
0x3a: {  	_ = 	snop  }
0x3b: {  	_ = 	snop  }
0x3c: {  	p2 =	seq.s32 s10, $0x1;
	s10 =	sld [smem:$0x3FBA]  }
0x3d: {  	_ =	shalt  }
0x3e: {  	_ =	shalt  }
0x3f: {  	_ =	shalt  }
0x40: {  	_ =	shalt  }
0x41: {  	_ =	shalt  }
0x42: {  	_ =	shalt  }
0x43: {  	_ =	shalt  }
0x44: {  	_ =	shalt  }
0x45: {  	_ =	shalt  }
0x46: {  	_ =	shalt  }
0x47: {  	_ =	shalt  }
0x48: {  	_ =	shalt  }
0x49: {  	_ =	shalt  }
0x4a: {  	_ =	shalt  }
0x4b: {  	_ =	shalt  }
0x4c: {  	_ =	shalt  }
0x4d: {  	_ =	shalt  }
0x4e: {  	_ =	shalt  }
0x4f: {  	_ =	shalt  }
0x50: {  	_ =	shalt  }
0x51: {  	_ =	shalt  }
0x52: {  	_ =	shalt  }
0x53: {  	_ =	shalt  }
0x54: {  	_ =	shalt  }
0x55: {  	_ =	shalt  }
0x56: {  	_ =	shalt  }
0x57: {  	_ =	shalt  }
0x58: {  	_ =	shalt  }
0x59: {  	_ =	shalt  }
0x5a: {  	_ =	shalt  }
0x5b: {  	_ =	shalt  }
0x5c: {  	_ =	shalt  }
0x5d: {  	_ =	shalt  }
0x5e: {  	_ =	shalt  }
0x5f: {  	_ =	shalt  }
0x60: {  	_ =	shalt  }
0x61: {  	_ =	shalt  }
0x62: {  	_ =	shalt  }
0x63: {  	_ =	shalt  }
0x64: {  	_ =	shalt  }
0x65: {  	_ =	shalt  }
0x66: {  	_ =	shalt  }
0x67: {  	_ =	shalt  }
0x68: {  	_ =	shalt  }
0x69: {  	_ =	shalt  }
0x6a: {  	_ =	shalt  }
0x6b: {  	_ =	shalt  }
0x6c: {  	_ =	shalt  }
0x6d: {  	_ =	shalt  }
0x6e: {  	_ =	shalt  }
0x6f: {  	_ =	shalt  }
0x70: {  	_ =	shalt  }
0x71: {  	_ =	shalt  }
0x72: {  	_ =	shalt  }
0x73: {  	_ =	shalt  }
0x74: {  	_ =	shalt  }
0x75: {  	_ =	shalt  }
0x76: {  	_ =	shalt  }
0x77: {  	_ =	shalt  }
0x78: {  	_ =	shalt  }
0x79: {  	_ =	shalt  }
0x7a: {  	_ =	shalt  }
0x7b: {  	_ =	shalt  }
0x7c: {  	_ =	shalt  }
0x7d: {  	_ =	shalt  }
0x7e: {  	_ =	shalt  }
0x7f: {  	_ =	shalt  }
0x80: {  	_ =	shalt  }
0x81: {  	_ =	shalt  }
0x82: {  	_ =	shalt  }
0x83: {  	_ =	shalt  }
0x84: {  	_ =	shalt  }
0x85: {  	_ =	shalt  }
0x86: {  	_ =	shalt  }
0x87: {  	_ =	shalt  }
.Lfunc_end0:
.L_simem_size_0:
called_computation_lowered:
.L_overlay_start_0:
0x88: {  	s2 =	sld [smem:$0x3FD9]  }
0x89: {  	s3 =	sld [smem:$0x3FFE];
	_ =	sdelay $0x1  }
0x8a: {  	s1 =	srdreg.scid  }
0x8b: {  	s0 =	sand.u32 $0x1, s1  }
0x8c: {  	s17 =	sshll.u32 s0, $0xA;
	s2 =	sadd.s32 s3, s2  }
0x8d: {  	s2 =	sadd.s32 s2, s17  }
0x8e: {  	[smem:$0x3FC6] =	sst s2  }
0x8f: {  	_ = 	snop  }
0x90: {  	s2 =	sld [smem:$0x3FC9];
	(tm) =	ssettm $0x1  }
0x91: {  	s18 =	sld [smem:$0x3FFB];
	_ =	sdelay $0x3  }
0x92: {  	_ =	strace s18  }
0x93: {  	s3 =	sld [smem:$0x3FFC];
	_ =	sdelay $0x3  }
0x94: {  	_ =	strace s3  }
0x95: {  	s3 =	sld [smem:$0x3FFD];
	_ =	sdelay $0x3  }
0x96: {  	_ =	strace s3  }
0x97: {  	_ =	strace $0x8FFFFFFF  }
0x98: {  	s19 =	sld [smem:$0x3FDB];
	_ =	sdelay $0x1  }
0x99: {  	s4 =	simm.s32 $_scs_section_size  }
0x9a: {  	s5 =	simm.s32 $_size__tile_overlayer_lowered;
	s6 =	simm.s32 $_tile_overlayer_lowered  }
0x9b: {  	s22 =	simm.s32 $0x1BFF;
	s21 =	sshll.u32 s6, $0x1;
	s3 =	sadd.s32 s4, s19  }
0x9c: {  	s7 =	simm.s32 $0x0;
	s20 =	sshll.u32 s5, $0x1;
	s5 =	sadd.s32 s21, s3  }
0x9d: {  	[timem:s7], [sflag:s22] =	dma.local [hbm:s5], s20  }
0x9e: {  	_ =	swait.ge [sflag:s22], s20  }
0x9f: {  	s4 =	ssub.s32 $0x0, s20;
	[sflag:s22] =	ssyncset.done $0x0  }
0xa0: {  	[sflag:s22] =	ssyncadd.s32 s4;
	_ =	sdelay $0x1  }
0xa1: {  	s23 =	simm.s32 $0x1B8B  }
0xa2: {  	_ =	swait.ge [sflag:s23], $0x1  }
0xa3: {  	[sflag:s23] =	ssyncset.done $0x0  }
0xa4: {  	s25 =	simm.s32 $0x1B8E;
	s24 =	sld [smem:$0x3FFE];
	[sflag:s23] =	ssyncadd.s32 $0xFFFFFFFF  }
0xa5: {  	s26 =	simm.s32 $execute0_lowered;
	[smem:$0x3FD2] =	sst s25  }
0xa6: {  	s5 =	sshll.u32 s26, $0x1;
	_ =	strace $0x80000046;
	[dreg:$0x1] =	wrdreg $0xFFFFFFFF  }
0xa7: {  	s28 =	simm.s32 $_size_execute0_lowered;
	s3 =	sadd.s32 s3, s5;
	[dreg:$0x0] =	wrdreg $0x0  }
0xa8: {  	s5 =	sshll.u32 s28, $0x1;
	[dreg:$0x2] =	wrdreg s3  }
0xa9: {  	[dreg:$0x3] =	wrdreg s5  }
0xaa: {  	[dreg:$0x4] =	wrdreg $0xC0  }
0xab: {  	_ =	task [dreg:s7], $0x5FFFF  }
0xac: {  	[dreg:$0x1] =	wrdreg $0xFFFFFFFF  }
0xad: {  	[dreg:$0x0] =	wrdreg $0x60  }
0xae: {  	[dreg:$0x2] =	wrdreg s2  }
0xaf: {  	[dreg:$0x3] =	wrdreg s24  }
0xb0: {  	[dreg:$0x4] =	wrdreg $0x9  }
0xb1: {  	_ =	task.clear_ibuf [dreg:s7], $0x5FFFF;
	_ =	strace $0x90000046  }
0xb2: {  	s29 =	simm.s32 $0x9;
	_ =	strace $0x80000048  }
0xb3: {  	_ =	swait.ge [sflag:s29], $0x1  }
0xb4: {  	[sflag:s29] =	ssyncadd.s32 $0xFFFFFFFF  }
0xb5: {  	_ =	strace $0x90000048  }
0xb6: {  	_ =	sfence  }
0xb7: {  	s30 =	sld [smem:$0x0];
	_ =	sdelay $0x2  }
0xb8: {  	s31 =	sshll.u32 s1, $0xD;
	s1 =	sshrl.u32 s1, $0x2  }
0xb9: {  	s3 =	sand.u32 $0x4000, s31;
	s1 =	sadd.s32 s1, s30  }
0xba: {  	s0 =	sor.u32 s3, s0;
	s1 =	sshll.u32 s1, $0x11  }
0xbb: {  	s0 =	sor.u32 s1, s0  }
0xbc: {  	s0 =	sadd.s32 $0x8F2B, s0  }
0xbd: {  	[sflag:s0] =	ssyncadd.remote.s32 $0x1  }
0xbe: {  	_ =	sfence.sel $0xFFFF  }
0xbf: {  	[dreg:$0x0] =	wrdreg $0xFFFFFFFF;
	(pc) =	sbr.abs _section_cstart, $3  }
0xc0: {  	[dreg:$0x1] =	wrdreg $0xFFFFFFFF  }
0xc1: {  	_ =	task.clear_ibuf [dreg:s7], $0x2FFFF;
	_ =	strace $0x9FFFFFFF  }
0xc2: {  	(tm) =	ssettm $0x7FFFFFFF  }
0xc3: {  	_ =	shalt  }
tec
execute0_lowered:
.L_overlay_start_1:
0x0: {  	(tag) =	ssettag $0x1  }
0x1: {  	s1 =	srdreg.scid  }
0x2: {  	s0 =	stileid.u32;
	s2 =	rddreg [dreg:$0x0]  }
0x3: {  	s3 =	rddreg [dreg:$0x1];
	s4 =	simm.s32 $0x0;
	s10 =	simm.s32 $0x80  }
0x4: {  	s11 =	simm.s32 $0x50;
	s12 =	simm.s32 $0x100;
	s13 =	simm.s32 $0x2900  }
0x5: {  	s14 =	simm.s32 $0x1;
	s6 =	sand.u32 $0x1, s1;
	s31 =	sshll.u32 s0, $0x1  }
0x6: {  	s15 =	simm.s32 $0x2;
	s16 =	simm.s32 $0x5100;
	s5 =	sor.u32 s6, s31  }
0x7: {  	s17 =	simm.s32 $0x5600;
	s1 =	rddreg [dreg:$0x2];
	s5 =	smul.u32 $0x2710, s5  }
0x8: {  	s18 =	simm.s32 $0x0;
	[smem:$0x7FF] =	sst s4;
	s7 =	ssub.s32 $0x2, s6  }
0x9: {  	v0 =	vlaneseq.u32;
	_ =	strace $0x80000047;
	s9 =	sshrl.u32 s7, $0x1;
	s8 =	sshrl.u32 s5, $0x3  }
0xa: {  	v0 =	vmul.u32 $0x10, v0;
	s6 =	sadd.s32 $0x9E00, s3;
	s9 =	ssub.s32 s7, s9;
	s8 =	sadd.s32 s8, s3  }
0xb: {  	s7 =	sadd.s32 $0x13C00, s8;
	s8 =	smax.u32 s9, $0x1;
	s9 =	simm.s32 $0x3  }
.LBB2_1:
0xc: {  	s19 =	simm.s32 $0x5600;
	s20 =	simm.s32 $0x0  }
.LBB2_2:
0xd: {  	s21 =	smul.u32 $0x50, s20;
	_ =	sdelay $0x1  }
0xe: {  	s21 =	sadd.s32 s5, s21  }
0xf: {  	s22 =	sshrl.u32 s21, $0x3  }
0x10: {  	s21 =	simm.s32 $0x0;
	s23 =	sadd.s32 s6, s22  }
0x11: {  	[tilespmem:s21], [sflag:$0x3] =	stream.linear.gather [hbm4b:s23+s21], $0x50, $0x38;
	[tilespmem:$0x7D80] =	vst v63  }
0x12: {  	_ =	swait.ge [sflag:s9], $0x50  }
0x13: {  	[sflag:s9] =	ssyncset.done $0x0  }
0x14: {  	s22 =	sadd.s32 s3, s22;
	[sflag:s9] =	ssyncadd.s32 $0xFFFFFFB0  }
0x15: {  	[tilespmem:s10], [sflag:$0x3] =	stream.linear.gather [hbm4b:s22+s21], $0x50, $0x38;
	[tilespmem:$0x7D80] =	vst v63  }
0x16: {  	_ =	swait.ge [sflag:s9], $0x50  }
0x17: {  	[sflag:s9] =	ssyncset.done $0x0  }
0x18: {  	[sflag:s9] =	ssyncadd.s32 $0xFFFFFFB0  }
0x19: {  	[tilespmem:s12], [sflag:$0x1] =	stream.indirect.gather [hbm4b:s2+s11], $0x80, s21, s11, $0xb8;
	[tilespmem:$0x7D80] =	vst v63  }
0x1a: {  	_ = 	snop  }
0x1b: {  	[tilespmem:s13], [sflag:$0x2] =	stream.indirect.gather [hbm4b:s2+s11], $0x80, s10, s11, $0xb8;
	[tilespmem:$0x7D80] =	vst v63  }
0x1c: {  	_ =	swait.ge [sflag:s14], $0x2800  }
0x1d: {  	[sflag:s14] =	ssyncset.done $0x0  }
0x1e: {  	[sflag:s14] =	ssyncadd.s32 $0xFFFFD800  }
0x1f: {  	_ =	swait.ge [sflag:s15], $0x2800  }
0x20: {  	[sflag:s15] =	ssyncset.done $0x0  }
0x21: {  	s22 =	simm.s32 $0x0;
	[sflag:s15] =	ssyncadd.s32 $0xFFFFD800  }
0x22: {  	v1 =	vld [tilespmem:s22+$0x2910]  }
0x23: {  	v2 =	vld [tilespmem:s22+$0x100]  }
0x24: {  	v3 =	vld [tilespmem:s22+$0x110]  }
0x25: {  	v4 =	vld [tilespmem:s22+$0x2900]  }
0x26: {  	v5 =	vld [tilespmem:s22+$0x2920]  }
0x27: {  	v6 =	vld [tilespmem:s22+$0x120]  }
0x28: {  	v7 =	vld [tilespmem:s22+$0x2930]  }
0x29: {  	v8 =	vld [tilespmem:s22+$0x130]  }
0x2a: {  	v1 =	vmul.f32 v1, v3;
	v2 =	vmul.f32 v4, v2;
	v3 =	vld [tilespmem:s22+$0x2940]  }
0x2b: {  	v4 =	vld [tilespmem:s22+$0x140]  }
0x2c: {  	v1 =	vadd.f32 v1, v2;
	v2 =	vmul.f32 v5, v6;
	v5 =	vld [tilespmem:s22+$0x2950]  }
0x2d: {  	v6 =	vld [tilespmem:s22+$0x150]  }
0x2e: {  	v1 =	vadd.f32 v2, v1;
	v2 =	vmul.f32 v7, v8;
	v7 =	vld [tilespmem:s22+$0x2960]  }
0x2f: {  	v8 =	vld [tilespmem:s22+$0x160]  }
0x30: {  	v1 =	vadd.f32 v2, v1;
	v2 =	vmul.f32 v3, v4;
	v3 =	vld [tilespmem:s22+$0x2970]  }
0x31: {  	v4 =	vld [tilespmem:s22+$0x170]  }
0x32: {  	v1 =	vadd.f32 v2, v1;
	v2 =	vmul.f32 v5, v6;
	_ =	sdelay $0x1  }
0x33: {  	v1 =	vadd.f32 v2, v1;
	v2 =	vmul.f32 v7, v8;
	_ =	sdelay $0x1  }
0x34: {  	v1 =	vadd.f32 v2, v1;
	v2 =	vmul.f32 v3, v4;
	_ =	sdelay $0x1  }
0x35: {  	v1 =	vadd.f32 v2, v1  }
0x36: {  	s23 =	simm.s32 $0x5120  }
0x37: {  	[tilespmem:s23+$0xFFFFFFE0] =	vst v1  }
0x38: {  	v1 =	vld [tilespmem:s22+$0x180]  }
0x39: {  	v2 =	vld [tilespmem:s22+$0x2980]  }
0x3a: {  	v3 =	vld [tilespmem:s22+$0x190]  }
0x3b: {  	v4 =	vld [tilespmem:s22+$0x2990]  }
0x3c: {  	v5 =	vld [tilespmem:s22+$0x29A0]  }
0x3d: {  	v6 =	vld [tilespmem:s22+$0x1A0]  }
0x3e: {  	v7 =	vld [tilespmem:s22+$0x29B0]  }
0x3f: {  	v8 =	vld [tilespmem:s22+$0x1B0]  }
0x40: {  	v1 =	vmul.f32 v2, v1;
	v2 =	vmul.f32 v4, v3;
	v3 =	vld [tilespmem:s22+$0x29C0]  }
0x41: {  	v4 =	vld [tilespmem:s22+$0x1C0]  }
0x42: {  	v1 =	vadd.f32 v2, v1;
	v2 =	vmul.f32 v5, v6;
	v5 =	vld [tilespmem:s22+$0x29D0]  }
0x43: {  	v6 =	vld [tilespmem:s22+$0x1D0]  }
0x44: {  	v1 =	vadd.f32 v2, v1;
	v2 =	vmul.f32 v7, v8;
	v7 =	vld [tilespmem:s22+$0x29E0]  }
0x45: {  	v8 =	vld [tilespmem:s22+$0x1E0]  }
0x46: {  	v1 =	vadd.f32 v2, v1;
	v2 =	vmul.f32 v3, v4;
	v3 =	vld [tilespmem:s22+$0x29F0]  }
0x47: {  	v4 =	vld [tilespmem:s22+$0x1F0]  }
0x48: {  	v1 =	vadd.f32 v2, v1;
	v2 =	vmul.f32 v5, v6;
	_ =	sdelay $0x1  }
0x49: {  	v1 =	vadd.f32 v2, v1;
	v2 =	vmul.f32 v7, v8;
	_ =	sdelay $0x1  }
0x4a: {  	v1 =	vadd.f32 v2, v1;
	v2 =	vmul.f32 v3, v4;
	_ =	sdelay $0x1  }
0x4b: {  	v1 =	vadd.f32 v2, v1;
	_ =	sdelay $0x1  }
0x4c: {  	[tilespmem:s23+$0xFFFFFFF0] =	vst v1  }
0x4d: {  	v1 =	vld [tilespmem:s22+$0x200]  }
0x4e: {  	v2 =	vld [tilespmem:s22+$0x2A10]  }
0x4f: {  	v3 =	vld [tilespmem:s22+$0x2A00]  }
0x50: {  	v4 =	vld [tilespmem:s22+$0x210]  }
0x51: {  	v5 =	vld [tilespmem:s22+$0x220]  }
0x52: {  	v6 =	vld [tilespmem:s22+$0x2A20]  }
0x53: {  	v7 =	vld [tilespmem:s22+$0x230]  }
0x54: {  	v8 =	vld [tilespmem:s22+$0x2A30]  }
0x55: {  	v1 =	vmul.f32 v3, v1;
	v2 =	vmul.f32 v2, v4;
	v3 =	vld [tilespmem:s22+$0x240]  }
0x56: {  	v4 =	vld [tilespmem:s22+$0x2A40]  }
0x57: {  	v1 =	vadd.f32 v2, v1;
	v2 =	vmul.f32 v6, v5;
	v5 =	vld [tilespmem:s22+$0x250]  }
0x58: {  	v6 =	vld [tilespmem:s22+$0x2A50]  }
0x59: {  	v1 =	vadd.f32 v2, v1;
	v2 =	vmul.f32 v8, v7;
	v7 =	vld [tilespmem:s22+$0x260]  }
0x5a: {  	v8 =	vld [tilespmem:s22+$0x2A60]  }
0x5b: {  	v1 =	vadd.f32 v2, v1;
	v2 =	vmul.f32 v4, v3;
	v3 =	vld [tilespmem:s22+$0x270]  }
0x5c: {  	v4 =	vld [tilespmem:s22+$0x2A70]  }
0x5d: {  	v1 =	vadd.f32 v2, v1;
	v2 =	vmul.f32 v6, v5;
	_ =	sdelay $0x1  }
0x5e: {  	v1 =	vadd.f32 v2, v1;
	v2 =	vmul.f32 v8, v7;
	_ =	sdelay $0x1  }
0x5f: {  	v1 =	vadd.f32 v2, v1;
	v2 =	vmul.f32 v4, v3;
	_ =	sdelay $0x1  }
0x60: {  	v1 =	vadd.f32 v2, v1;
	_ =	sdelay $0x1  }
0x61: {  	[tilespmem:s23+$0x0] =	vst v1  }
0x62: {  	v6 =	vld [tilespmem:s22+$0x2A0]  }
0x63: {  	v2 =	vld [tilespmem:s22+$0x280]  }
0x64: {  	v7 =	vld [tilespmem:s22+$0x2AA0]  }
0x65: {  	v9 =	vld [tilespmem:s22+$0x2A90]  }
0x66: {  	v8 =	vld [tilespmem:s22+$0x2A80]  }
0x67: {  	v10 =	vld [tilespmem:s22+$0x290]  }
0x68: {  	v3 =	vld [tilespmem:s22+$0x2B0]  }
0x69: {  	v5 =	vld [tilespmem:s22+$0x2AB0]  }
0x6a: {  	v1 =	vld [tilespmem:s22+$0x2C0]  }
0x6b: {  	v4 =	vld [tilespmem:s22+$0x2AC0]  }
0x6c: {  	v8 =	vmul.f32 v8, v2;
	v2 =	vld [tilespmem:s22+$0x2D0]  }
0x6d: {  	s25 =	simm.s32 $0x800;
	s24 =	simm.s32 $0x5120;
	v7 =	vmul.f32 v7, v6;
	v9 =	vmul.f32 v9, v10;
	v6 =	vld [tilespmem:s22+$0x2AD0]  }
.LBB2_3:
0x6e: {  	p0 =	sne.s32 s25, $0x9800  }
0x6f: {  	v8 =	vadd.f32 v9, v8;
	v9 =	vld [tilespmem:s22+$0x2E0];
	s23 =	sadd.s32 $0x40, s23;
	s26 =	smov.u32 s25;
	s25 =	sadd.s32 $0x800, s25  }
0x70: {  	v3 =	vmul.f32 v5, v3;
	v5 =	vld [tilespmem:s22+$0x2AE0]  }
0x71: {  	v7 =	vadd.f32 v7, v8;
	v8 =	vld [tilespmem:s22+$0x2F0]  }
0x72: {  	v1 =	vmul.f32 v4, v1;
	v4 =	vld [tilespmem:s22+$0x2AF0]  }
0x73: {  	v3 =	vadd.f32 v3, v7;
	v2 =	vmul.f32 v6, v2;
	_ =	sdelay $0x1  }
0x74: {  	v1 =	vadd.f32 v1, v3;
	v3 =	vmul.f32 v5, v9;
	_ =	sdelay $0x1  }
0x75: {  	v1 =	vadd.f32 v2, v1;
	v2 =	vmul.f32 v4, v8;
	_ =	sdelay $0x1  }
0x76: {  	v1 =	vadd.f32 v3, v1;
	_ =	sdelay $0x1  }
0x77: {  	v1 =	vadd.f32 v2, v1;
	_ =	sdelay $0x1  }
0x78: {  	s22 =	sshra.s32 s26, $0x2;
	[tilespmem:s24+$0x10] =	vst v1;
	s24 =	smov.u32 s23  }
0x79: {  	v1 =	vld [tilespmem:s22+$0x2910]  }
0x7a: {  	v2 =	vld [tilespmem:s22+$0x100]  }
0x7b: {  	v3 =	vld [tilespmem:s22+$0x110]  }
0x7c: {  	v4 =	vld [tilespmem:s22+$0x2900]  }
0x7d: {  	v5 =	vld [tilespmem:s22+$0x2920]  }
0x7e: {  	v6 =	vld [tilespmem:s22+$0x120]  }
0x7f: {  	v7 =	vld [tilespmem:s22+$0x2930]  }
0x80: {  	v1 =	vmul.f32 v1, v3;
	v3 =	vld [tilespmem:s22+$0x130]  }
0x81: {  	v2 =	vmul.f32 v4, v2;
	v4 =	vld [tilespmem:s22+$0x2940]  }
0x82: {  	v8 =	vld [tilespmem:s22+$0x140]  }
0x83: {  	v1 =	vadd.f32 v1, v2;
	v2 =	vmul.f32 v5, v6;
	v5 =	vld [tilespmem:s22+$0x2950]  }
0x84: {  	v6 =	vld [tilespmem:s22+$0x150]  }
0x85: {  	v1 =	vadd.f32 v2, v1;
	v2 =	vmul.f32 v7, v3;
	v3 =	vld [tilespmem:s22+$0x2960]  }
0x86: {  	v7 =	vld [tilespmem:s22+$0x160]  }
0x87: {  	v1 =	vadd.f32 v2, v1;
	v2 =	vmul.f32 v4, v8;
	v4 =	vld [tilespmem:s22+$0x2970]  }
0x88: {  	v8 =	vld [tilespmem:s22+$0x170]  }
0x89: {  	v1 =	vadd.f32 v2, v1;
	v2 =	vmul.f32 v5, v6;
	_ =	sdelay $0x1  }
0x8a: {  	v1 =	vadd.f32 v2, v1;
	v2 =	vmul.f32 v3, v7;
	_ =	sdelay $0x1  }
0x8b: {  	v1 =	vadd.f32 v2, v1;
	v2 =	vmul.f32 v4, v8;
	_ =	sdelay $0x1  }
0x8c: {  	v1 =	vadd.f32 v2, v1;
	_ =	sdelay $0x1  }
0x8d: {  	[tilespmem:s23+$0xFFFFFFE0] =	vst v1  }
0x8e: {  	v1 =	vld [tilespmem:s22+$0x180]  }
0x8f: {  	v2 =	vld [tilespmem:s22+$0x2980]  }
0x90: {  	v3 =	vld [tilespmem:s22+$0x190]  }
0x91: {  	v4 =	vld [tilespmem:s22+$0x2990]  }
0x92: {  	v5 =	vld [tilespmem:s22+$0x29A0]  }
0x93: {  	v6 =	vld [tilespmem:s22+$0x1A0]  }
0x94: {  	v1 =	vmul.f32 v2, v1;
	v2 =	vld [tilespmem:s22+$0x29B0]  }
0x95: {  	v7 =	vld [tilespmem:s22+$0x1B0]  }
0x96: {  	v3 =	vmul.f32 v4, v3;
	v4 =	vld [tilespmem:s22+$0x29C0]  }
0x97: {  	v8 =	vld [tilespmem:s22+$0x1C0]  }
0x98: {  	v1 =	vadd.f32 v3, v1;
	v3 =	vmul.f32 v5, v6;
	v5 =	vld [tilespmem:s22+$0x29D0]  }
0x99: {  	v6 =	vld [tilespmem:s22+$0x1D0]  }
0x9a: {  	v1 =	vadd.f32 v3, v1;
	v2 =	vmul.f32 v2, v7;
	v3 =	vld [tilespmem:s22+$0x29E0]  }
0x9b: {  	v7 =	vld [tilespmem:s22+$0x1E0]  }
0x9c: {  	v1 =	vadd.f32 v2, v1;
	v2 =	vmul.f32 v4, v8;
	v4 =	vld [tilespmem:s22+$0x29F0]  }
0x9d: {  	v8 =	vld [tilespmem:s22+$0x1F0]  }
0x9e: {  	v1 =	vadd.f32 v2, v1;
	v2 =	vmul.f32 v5, v6;
	_ =	sdelay $0x1  }
0x9f: {  	v1 =	vadd.f32 v2, v1;
	v2 =	vmul.f32 v3, v7;
	_ =	sdelay $0x1  }
0xa0: {  	v1 =	vadd.f32 v2, v1;
	v2 =	vmul.f32 v4, v8;
	_ =	sdelay $0x1  }
0xa1: {  	v1 =	vadd.f32 v2, v1;
	_ =	sdelay $0x1  }
0xa2: {  	[tilespmem:s23+$0xFFFFFFF0] =	vst v1  }
0xa3: {  	v1 =	vld [tilespmem:s22+$0x200]  }
0xa4: {  	v2 =	vld [tilespmem:s22+$0x2A10]  }
0xa5: {  	v3 =	vld [tilespmem:s22+$0x2A00]  }
0xa6: {  	v4 =	vld [tilespmem:s22+$0x210]  }
0xa7: {  	v5 =	vld [tilespmem:s22+$0x220]  }
0xa8: {  	v6 =	vld [tilespmem:s22+$0x2A20]  }
0xa9: {  	v7 =	vld [tilespmem:s22+$0x230]  }
0xaa: {  	v1 =	vmul.f32 v3, v1;
	v3 =	vld [tilespmem:s22+$0x2A30]  }
0xab: {  	v2 =	vmul.f32 v2, v4;
	v4 =	vld [tilespmem:s22+$0x240]  }
0xac: {  	v8 =	vld [tilespmem:s22+$0x2A40]  }
0xad: {  	v1 =	vadd.f32 v2, v1;
	v2 =	vmul.f32 v6, v5;
	v5 =	vld [tilespmem:s22+$0x250]  }
0xae: {  	v6 =	vld [tilespmem:s22+$0x2A50]  }
0xaf: {  	v1 =	vadd.f32 v2, v1;
	v2 =	vmul.f32 v3, v7;
	v3 =	vld [tilespmem:s22+$0x260]  }
0xb0: {  	v7 =	vld [tilespmem:s22+$0x2A60]  }
0xb1: {  	v1 =	vadd.f32 v2, v1;
	v2 =	vmul.f32 v8, v4;
	v4 =	vld [tilespmem:s22+$0x270]  }
0xb2: {  	v8 =	vld [tilespmem:s22+$0x2A70]  }
0xb3: {  	v1 =	vadd.f32 v2, v1;
	v2 =	vmul.f32 v6, v5;
	_ =	sdelay $0x1  }
0xb4: {  	v1 =	vadd.f32 v2, v1;
	v2 =	vmul.f32 v7, v3;
	_ =	sdelay $0x1  }
0xb5: {  	v1 =	vadd.f32 v2, v1;
	v2 =	vmul.f32 v8, v4;
	_ =	sdelay $0x1  }
0xb6: {  	v1 =	vadd.f32 v2, v1;
	_ =	sdelay $0x1  }
0xb7: {  	[tilespmem:s23+$0x0] =	vst v1  }
0xb8: {  	v2 =	vld [tilespmem:s22+$0x2A0]  }
0xb9: {  	v4 =	vld [tilespmem:s22+$0x280]  }
0xba: {  	v6 =	vld [tilespmem:s22+$0x2AA0]  }
0xbb: {  	v9 =	vld [tilespmem:s22+$0x2A90]  }
0xbc: {  	v7 =	vld [tilespmem:s22+$0x2A80]  }
0xbd: {  	v10 =	vld [tilespmem:s22+$0x290]  }
0xbe: {  	v3 =	vld [tilespmem:s22+$0x2B0]  }
.Ltmp0:
0xbf: {  	v5 =	vld [tilespmem:s22+$0x2AB0];
	(pc) =	sbr.rel @p0 .LBB2_3-.Ltmp0, $4  }
0xc0: {  	v1 =	vld [tilespmem:s22+$0x2C0]  }
0xc1: {  	v8 =	vmul.f32 v7, v4;
	v7 =	vmul.f32 v6, v2;
	v4 =	vld [tilespmem:s22+$0x2AC0]  }
0xc2: {  	v9 =	vmul.f32 v9, v10;
	v2 =	vld [tilespmem:s22+$0x2D0]  }
0xc3: {  	v6 =	vld [tilespmem:s22+$0x2AD0]  }
0xc4: {  	v8 =	vadd.f32 v9, v8;
	_ =	sdelay $0x1  }
0xc5: {  	v56 =	vld [tilespmem:s22+$0x2E0];
	v3 =	vmul.f32 v5, v3;
	v5 =	vadd.f32 v7, v8  }
0xc6: {  	v7 =	vld [tilespmem:s22+$0x2AE0]  }
0xc7: {  	v57 =	vld [tilespmem:s22+$0x2F0];
	v1 =	vmul.f32 v4, v1;
	v3 =	vadd.f32 v3, v5  }
0xc8: {  	v4 =	vld [tilespmem:s22+$0x2AF0]  }
0xc9: {  	v2 =	vmul.f32 v6, v2;
	v1 =	vadd.f32 v1, v3  }
0xca: {  	v3 =	vmov s21  }
0xcb: {  	v5 =	vmul.f32 v7, v56;
	v1 =	vadd.f32 v2, v1;
	v2 =	vshll.u32 v3, $0x4  }
0xcc: {  	v2 =	vor.u32 v0, v2  }
0xcd: {  	v3 =	vmul.f32 v4, v57;
	v1 =	vadd.f32 v5, v1;
	v4 =	vor.u32 $0x1, v2;
	_ =	sdelay $0x1  }
0xce: {  	v1 =	vadd.f32 v3, v1  }
0xcf: {  	v3 =	vor.u32 $0x2, v2  }
0xd0: {  	[tilespmem:s24+$0x10] =	vst v1  }
0xd1: {  	v1 =	vld.idx.msk [tilespmem:v4+s16+$0x0], $0xffff;
	v4 =	vor.u32 $0x3, v2  }
0xd2: {  	v5 =	vld.idx.msk [tilespmem:v2+s16+$0x0], $0xffff  }
0xd3: {  	v6 =	vor.u32 $0x4, v2  }
0xd4: {  	v3 =	vld.idx.msk [tilespmem:v3+s16+$0x0], $0xffff  }
0xd5: {  	v7 =	vor.u32 $0x5, v2  }
0xd6: {  	v4 =	vld.idx.msk [tilespmem:v4+s16+$0x0], $0xffff  }
0xd7: {  	v58 =	vor.u32 $0x6, v2;
	v1 =	vadd.f32 v1, v5  }
0xd8: {  	v5 =	vld.idx.msk [tilespmem:v6+s16+$0x0], $0xffff  }
0xd9: {  	v6 =	vor.u32 $0x7, v2;
	v1 =	vadd.f32 v3, v1  }
0xda: {  	v3 =	vld.idx.msk [tilespmem:v7+s16+$0x0], $0xffff  }
0xdb: {  	v7 =	vor.u32 $0x8, v2;
	v1 =	vadd.f32 v4, v1  }
0xdc: {  	v4 =	vld.idx.msk [tilespmem:v58+s16+$0x0], $0xffff  }
0xdd: {  	v59 =	vor.u32 $0x9, v2;
	v1 =	vadd.f32 v5, v1  }
0xde: {  	v5 =	vld.idx.msk [tilespmem:v6+s16+$0x0], $0xffff  }
0xdf: {  	v6 =	vor.u32 $0xA, v2;
	v1 =	vadd.f32 v3, v1  }
0xe0: {  	v3 =	vld.idx.msk [tilespmem:v7+s16+$0x0], $0xffff  }
0xe1: {  	v7 =	vor.u32 $0xB, v2;
	v1 =	vadd.f32 v4, v1  }
0xe2: {  	v4 =	vld.idx.msk [tilespmem:v59+s16+$0x0], $0xffff  }
0xe3: {  	v60 =	vor.u32 $0xC, v2;
	v1 =	vadd.f32 v5, v1  }
0xe4: {  	v5 =	vld.idx.msk [tilespmem:v6+s16+$0x0], $0xffff  }
0xe5: {  	v6 =	vor.u32 $0xD, v2;
	v1 =	vadd.f32 v3, v1  }
0xe6: {  	v3 =	vld.idx.msk [tilespmem:v7+s16+$0x0], $0xffff  }
0xe7: {  	v7 =	vor.u32 $0xE, v2;
	v1 =	vadd.f32 v4, v1  }
0xe8: {  	v4 =	vld.idx.msk [tilespmem:v60+s16+$0x0], $0xffff  }
0xe9: {  	v2 =	vor.u32 $0xF, v2;
	v1 =	vadd.f32 v5, v1  }
0xea: {  	v5 =	vld.idx.msk [tilespmem:v6+s16+$0x0], $0xffff  }
0xeb: {  	v1 =	vadd.f32 v3, v1  }
0xec: {  	v3 =	vld.idx.msk [tilespmem:v7+s16+$0x0], $0xffff  }
0xed: {  	s30 =	simm.s32 $0x10;
	v1 =	vadd.f32 v4, v1  }
0xee: {  	v2 =	vld.idx.msk [tilespmem:v2+s16+$0x0], $0xffff;
	v4 =	vmov s30  }
0xef: {  	v4 =	vshll.u32 v4, $0x4;
	v1 =	vadd.f32 v5, v1  }
0xf0: {  	v4 =	vor.u32 v0, v4  }
0xf1: {  	v5 =	vor.u32 $0x1, v4;
	v1 =	vadd.f32 v3, v1;
	_ =	sdelay $0x1  }
0xf2: {  	v1 =	vadd.f32 v2, v1  }
0xf3: {  	v2 =	vor.u32 $0x2, v4  }
0xf4: {  	[tilespmem:s19+$0x0] =	vst v1  }
0xf5: {  	v3 =	vor.u32 $0x3, v4;
	v1 =	vld.idx.msk [tilespmem:v5+s16+$0x0], $0xffff  }
0xf6: {  	v5 =	vld.idx.msk [tilespmem:v4+s16+$0x0], $0xffff  }
0xf7: {  	v6 =	vor.u32 $0x4, v4  }
0xf8: {  	v2 =	vld.idx.msk [tilespmem:v2+s16+$0x0], $0xffff  }
0xf9: {  	v7 =	vor.u32 $0x5, v4  }
0xfa: {  	v3 =	vld.idx.msk [tilespmem:v3+s16+$0x0], $0xffff  }
0xfb: {  	v61 =	vor.u32 $0x6, v4;
	v1 =	vadd.f32 v1, v5  }
0xfc: {  	v5 =	vld.idx.msk [tilespmem:v6+s16+$0x0], $0xffff  }
0xfd: {  	v6 =	vor.u32 $0x7, v4;
	v1 =	vadd.f32 v2, v1  }
0xfe: {  	v2 =	vld.idx.msk [tilespmem:v7+s16+$0x0], $0xffff  }
0xff: {  	v7 =	vor.u32 $0x8, v4;
	v1 =	vadd.f32 v3, v1  }
0x100: {  	v3 =	vld.idx.msk [tilespmem:v61+s16+$0x0], $0xffff  }
0x101: {  	v62 =	vor.u32 $0x9, v4;
	v1 =	vadd.f32 v5, v1  }
0x102: {  	v5 =	vld.idx.msk [tilespmem:v6+s16+$0x0], $0xffff  }
0x103: {  	v6 =	vor.u32 $0xA, v4;
	v1 =	vadd.f32 v2, v1  }
0x104: {  	v2 =	vld.idx.msk [tilespmem:v7+s16+$0x0], $0xffff  }
0x105: {  	v7 =	vor.u32 $0xB, v4;
	v1 =	vadd.f32 v3, v1  }
0x106: {  	v3 =	vld.idx.msk [tilespmem:v62+s16+$0x0], $0xffff  }
0x107: {  	v63 =	vor.u32 $0xC, v4;
	v1 =	vadd.f32 v5, v1  }
0x108: {  	v5 =	vld.idx.msk [tilespmem:v6+s16+$0x0], $0xffff  }
0x109: {  	v1 =	vadd.f32 v2, v1  }
0x10a: {  	v6 =	vor.u32 $0xD, v4;
	v2 =	vld.idx.msk [tilespmem:v7+s16+$0x0], $0xffff  }
0x10b: {  	v1 =	vadd.f32 v3, v1  }
0x10c: {  	v7 =	vor.u32 $0xE, v4;
	v3 =	vld.idx.msk [tilespmem:v63+s16+$0x0], $0xffff  }
0x10d: {  	v1 =	vadd.f32 v5, v1  }
0x10e: {  	v4 =	vor.u32 $0xF, v4  }
0x10f: {  	v5 =	vld.idx.msk [tilespmem:v6+s16+$0x0], $0xffff;
	v1 =	vadd.f32 v2, v1;
	_ =	sdelay $0x1  }
0x110: {  	v3 =	vadd.f32 v3, v1;
	v1 =	vld.idx.msk [tilespmem:v7+s16+$0x0], $0xffff  }
0x111: {  	s31 =	simm.s32 $0x20  }
0x112: {  	v6 =	vmov s31;
	v2 =	vld.idx.msk [tilespmem:v4+s16+$0x0], $0xffff  }
0x113: {  	s22 =	simm.s32 $0x30;
	s21 =	smov.u32 s19;
	v4 =	vshll.u32 v6, $0x4;
	v3 =	vadd.f32 v5, v3  }
.LBB2_5:
0x114: {  	p0 =	sne.s32 s22, $0x40;
	v4 =	vor.u32 v0, v4  }
0x115: {  	v5 =	vor.u32 $0x1, v4;
	v1 =	vadd.f32 v1, v3;
	_ =	sdelay $0x1  }
0x116: {  	v1 =	vadd.f32 v2, v1  }
0x117: {  	s21 =	sadd.s32 $0x10, s21;
	v2 =	vor.u32 $0x2, v4  }
0x118: {  	[tilespmem:s21+$0x0] =	vst v1  }
0x119: {  	v3 =	vor.u32 $0x3, v4;
	v1 =	vld.idx.msk [tilespmem:v5+s16+$0x0], $0xffff  }
0x11a: {  	v5 =	vld.idx.msk [tilespmem:v4+s16+$0x0], $0xffff  }
0x11b: {  	v6 =	vor.u32 $0x4, v4  }
0x11c: {  	v2 =	vld.idx.msk [tilespmem:v2+s16+$0x0], $0xffff  }
0x11d: {  	v7 =	vor.u32 $0x5, v4  }
0x11e: {  	v3 =	vld.idx.msk [tilespmem:v3+s16+$0x0], $0xffff  }
0x11f: {  	v8 =	vor.u32 $0x6, v4  }
0x120: {  	v1 =	vadd.f32 v1, v5;
	v5 =	vld.idx.msk [tilespmem:v6+s16+$0x0], $0xffff  }
0x121: {  	v6 =	vor.u32 $0x7, v4  }
0x122: {  	v1 =	vadd.f32 v2, v1;
	v2 =	vld.idx.msk [tilespmem:v7+s16+$0x0], $0xffff  }
0x123: {  	v7 =	vor.u32 $0x8, v4  }
0x124: {  	v1 =	vadd.f32 v3, v1;
	v3 =	vld.idx.msk [tilespmem:v8+s16+$0x0], $0xffff  }
0x125: {  	v8 =	vor.u32 $0x9, v4  }
0x126: {  	v1 =	vadd.f32 v5, v1;
	v5 =	vld.idx.msk [tilespmem:v6+s16+$0x0], $0xffff  }
0x127: {  	v6 =	vor.u32 $0xA, v4  }
0x128: {  	v1 =	vadd.f32 v2, v1;
	v2 =	vld.idx.msk [tilespmem:v7+s16+$0x0], $0xffff  }
0x129: {  	v7 =	vor.u32 $0xB, v4  }
0x12a: {  	v1 =	vadd.f32 v3, v1;
	v3 =	vld.idx.msk [tilespmem:v8+s16+$0x0], $0xffff  }
0x12b: {  	v8 =	vor.u32 $0xC, v4  }
0x12c: {  	v1 =	vadd.f32 v5, v1;
	v5 =	vld.idx.msk [tilespmem:v6+s16+$0x0], $0xffff  }
0x12d: {  	v6 =	vor.u32 $0xD, v4  }
0x12e: {  	v1 =	vadd.f32 v2, v1;
	v2 =	vld.idx.msk [tilespmem:v7+s16+$0x0], $0xffff  }
0x12f: {  	v7 =	vor.u32 $0xE, v4  }
0x130: {  	v1 =	vadd.f32 v3, v1;
	v3 =	vld.idx.msk [tilespmem:v8+s16+$0x0], $0xffff  }
0x131: {  	v4 =	vor.u32 $0xF, v4  }
0x132: {  	v1 =	vadd.f32 v5, v1;
	v5 =	vld.idx.msk [tilespmem:v6+s16+$0x0], $0xffff;
	_ =	sdelay $0x1  }
.Ltmp1:
0x133: {  	v2 =	vadd.f32 v2, v1;
	v1 =	vld.idx.msk [tilespmem:v7+s16+$0x0], $0xffff;
	(pc) =	sbr.rel @p0 .LBB2_5-.Ltmp1, $4  }
0x134: {  	_ = 	snop  }
0x135: {  	v3 =	vadd.f32 v3, v2;
	v2 =	vld.idx.msk [tilespmem:v4+s16+$0x0], $0xffff  }
0x136: {  	v4 =	vmov s22  }
0x137: {  	s22 =	sadd.s32 $0x10, s22;
	v4 =	vshll.u32 v4, $0x4;
	v3 =	vadd.f32 v5, v3  }
0x138: {  	v4 =	vor.u32 v0, v4  }
0x139: {  	v5 =	vor.u32 $0x1, v4;
	v1 =	vadd.f32 v1, v3;
	_ =	sdelay $0x1  }
0x13a: {  	v1 =	vadd.f32 v2, v1  }
0x13b: {  	s21 =	sadd.s32 $0x10, s21;
	v2 =	vor.u32 $0x2, v4  }
0x13c: {  	[tilespmem:s21+$0x0] =	vst v1  }
0x13d: {  	v3 =	vor.u32 $0x3, v4;
	v1 =	vld.idx.msk [tilespmem:v5+s16+$0x0], $0xffff  }
0x13e: {  	v51 =	vld.idx.msk [tilespmem:v4+s16+$0x0], $0xffff  }
0x13f: {  	v6 =	vor.u32 $0x4, v4  }
0x140: {  	v2 =	vld.idx.msk [tilespmem:v2+s16+$0x0], $0xffff  }
0x141: {  	v7 =	vor.u32 $0x5, v4  }
0x142: {  	v3 =	vld.idx.msk [tilespmem:v3+s16+$0x0], $0xffff  }
0x143: {  	v8 =	vor.u32 $0x6, v4;
	v1 =	vadd.f32 v1, v51  }
0x144: {  	v52 =	vld.idx.msk [tilespmem:v6+s16+$0x0], $0xffff  }
0x145: {  	v53 =	vor.u32 $0x7, v4;
	v1 =	vadd.f32 v2, v1  }
0x146: {  	v2 =	vld.idx.msk [tilespmem:v7+s16+$0x0], $0xffff  }
0x147: {  	v54 =	vor.u32 $0x8, v4;
	v1 =	vadd.f32 v3, v1  }
0x148: {  	v3 =	vld.idx.msk [tilespmem:v8+s16+$0x0], $0xffff  }
0x149: {  	v55 =	vor.u32 $0x9, v4;
	v1 =	vadd.f32 v52, v1  }
0x14a: {  	v56 =	vld.idx.msk [tilespmem:v53+s16+$0x0], $0xffff  }
0x14b: {  	v57 =	vor.u32 $0xA, v4;
	v1 =	vadd.f32 v2, v1  }
0x14c: {  	v2 =	vld.idx.msk [tilespmem:v54+s16+$0x0], $0xffff  }
0x14d: {  	v58 =	vor.u32 $0xB, v4;
	v1 =	vadd.f32 v3, v1  }
0x14e: {  	v3 =	vld.idx.msk [tilespmem:v55+s16+$0x0], $0xffff  }
0x14f: {  	v59 =	vor.u32 $0xC, v4;
	v1 =	vadd.f32 v56, v1  }
0x150: {  	v60 =	vld.idx.msk [tilespmem:v57+s16+$0x0], $0xffff  }
0x151: {  	v61 =	vor.u32 $0xD, v4;
	v1 =	vadd.f32 v2, v1  }
0x152: {  	v2 =	vld.idx.msk [tilespmem:v58+s16+$0x0], $0xffff  }
0x153: {  	v62 =	vor.u32 $0xE, v4;
	v1 =	vadd.f32 v3, v1  }
0x154: {  	v3 =	vld.idx.msk [tilespmem:v59+s16+$0x0], $0xffff  }
0x155: {  	v4 =	vor.u32 $0xF, v4;
	v1 =	vadd.f32 v60, v1  }
0x156: {  	v63 =	vld.idx.msk [tilespmem:v61+s16+$0x0], $0xffff  }
0x157: {  	v1 =	vadd.f32 v2, v1  }
0x158: {  	v2 =	vld.idx.msk [tilespmem:v62+s16+$0x0], $0xffff  }
0x159: {  	v1 =	vadd.f32 v3, v1  }
0x15a: {  	v3 =	vld.idx.msk [tilespmem:v4+s16+$0x0], $0xffff  }
0x15b: {  	s20 =	sadd.s32 $0x1, s20;
	v1 =	vadd.f32 v63, v1  }
0x15c: {  	p0 =	sne.s32 s20, $0x7D  }
.Ltmp2:
0x15d: {  	v1 =	vadd.f32 v2, v1;
	(pc) =	sbr.rel @p0 .LBB2_2-.Ltmp2, $4  }
0x15e: {  	_ = 	snop  }
0x15f: {  	v1 =	vadd.f32 v3, v1  }
0x160: {  	s21 =	sadd.s32 $0x10, s21  }
0x161: {  	s19 =	sadd.s32 $0x50, s19;
	[tilespmem:s21+$0x0] =	vst v1  }
0x162: {  	s18 =	sadd.s32 $0x1, s18  }
0x163: {  	p0 =	sne.s32 s18, s8  }
.Ltmp3:
0x164: {  	_ = 	snop;
	(pc) =	sbr.rel @p0 .LBB2_1-.Ltmp3, $4  }
0x165: {  	[hbm4b:s7+s4] =	stream.linear.scatter [tilespmem:s17], [sflag:$0x3], $0x2710, $0x38;
	[tilespmem:$0x7D80] =	vst v63  }
0x166: {  	_ =	swait.ge [sflag:s9], $0x2710  }
0x167: {  	[sflag:s9] =	ssyncset.done $0x0  }
0x168: {  	[sflag:s9] =	ssyncadd.s32 $0xFFFFD8F0  }
0x169: {  	_ =	sfence.sel $0x180000  }
0x16a: {  	[bflag:$0x0] =	sbarrier.arrive $0xFFFF  }
0x16b: {  	p0 =	sne.s32 s0, $0x0;
	_ =	strace $0x90000047  }
0x16c: {  	s0 =	sadd.s32 @!p0 $0x100000, s1;
	[bflag:$0x2] =	sbarrier.arrive $0xFFFF  }
0x16d: {  	[sflag:s0] =	ssyncadd.tile.s32 @!p0 $0x1;
	_ =	shalt  }
.Lfunc_end2:
_tile_overlayer_lowered:
.L_overlay_start_2:
0x16e: {  	(tag) =	ssettag $0x2  }
0x16f: {  	s0 =	rddreg [dreg:$0x0];
	s2 =	stileid.u32  }
0x170: {  	s1 =	rddreg [dreg:$0x1];
	p0 =	sne.s32 s2, $0x0  }
0x171: {  	s3 =	rddreg [dreg:$0x2];
	[bflag:$0x3] =	sbarrier.arrive $0xFFFF;
	s2 =	simm.s32 @!p0 $0x1C03  }
0x172: {  	[timem:s3], [sflag:s2] =	dma.local @!p0 [hbm:s0], s1  }
0x173: {  	s0 =	simm.s32 @!p0 $0x3  }
0x174: {  	_ =	swait.ge @!p0 [sflag:s0], s1  }
0x175: {  	s1 =	ssub.s32 @!p0 $0x0, s1;
	[sflag:s0] =	ssyncset.done @!p0 $0x0  }
0x176: {  	[sflag:s0] =	ssyncadd.s32 @!p0 s1  }
0x177: {  	[bflag:$0x3] =	sbarrier.arrive $0xFFFF  }
0x178: {  	_ =	shalt  }

</sc_bundles>
